<compile_context>
chip_gen: v7x
topology: tpu7x:2x2x1
jax: 0.10.2.dev20260603
libtpu: 0.0.44.dev20260713+nightly
codegen_flags: <defaults>
</compile_context>

<pallas_src>
import functools

import numpy as np
import jax
import jax.numpy as jnp
from jax.experimental import pallas as pl
from jax.experimental.pallas import tpu as pltpu


TN1 = 256
TN2 = 1024


def _split(a):
    hi = a.astype(jnp.bfloat16)
    lo = (a - hi.astype(jnp.float32)).astype(jnp.bfloat16)
    return hi, lo


def _dot3(ah, al, bh, bl):
    f = jnp.float32
    return (jnp.dot(ah, bh, preferred_element_type=f)
            + jnp.dot(ah, bl, preferred_element_type=f)
            + jnp.dot(al, bh, preferred_element_type=f))


def _k1_body(xyz1_ref, xyz2t_ref, p1_ref, p2h_ref, p2l_ref,
             w0ah_ref, w0al_ref, w0bh_ref, w0bl_ref, b0_ref,
             y0_ref, st_ref):
    t = pl.program_id(1)
    x = xyz1_ref[0]
    yz = xyz2t_ref[0]

    x0, x1, x2 = x[:, 0:1], x[:, 1:2], x[:, 2:3]
    z0, z1, z2 = yz[0:1, :], yz[1:2, :], yz[2:3, :]
    s1 = x0 * x0 + x1 * x1 + x2 * x2
    s2 = z0 * z0 + z1 * z1 + z2 * z2
    bf = lambda v: v.astype(jnp.bfloat16).astype(jnp.float32)
    dot = bf(x0) * bf(z0) + bf(x1) * bf(z1) + bf(x2) * bf(z2)
    dist = (-2.0 * dot + s1) + s2

    m0 = jnp.min(dist, axis=1, keepdims=True)
    d1 = jnp.where(dist == m0, jnp.inf, dist)
    m1 = jnp.min(d1, axis=1, keepdims=True)
    d2 = jnp.where(d1 == m1, jnp.inf, d1)
    m2 = jnp.min(d2, axis=1, keepdims=True)

    r0 = 1.0 / (m0 + 1e-8)
    r1 = 1.0 / (m1 + 1e-8)
    r2 = 1.0 / (m2 + 1e-8)
    inorm = 1.0 / (r0 + r1 + r2)
    w0 = r0 * inorm
    w1 = r1 * inorm
    w2 = r2 * inorm
    s_mat = jnp.where(dist == m0, w0,
                      jnp.where(dist == m1, w1,
                                jnp.where(dist == m2, w2, 0.0)))

    sh, sl = _split(s_mat)
    interp = _dot3(sh, sl, p2h_ref[0], p2l_ref[0])
    p1h, p1l = _split(p1_ref[0])
    ih, il = _split(interp)
    h = (_dot3(p1h, p1l, w0ah_ref[...], w0al_ref[...])
         + _dot3(ih, il, w0bh_ref[...], w0bl_ref[...])
         + b0_ref[...])
    y0_ref[0] = h

    @pl.when(t == 0)
    def _():
        st_ref[...] = jnp.zeros_like(st_ref)

    st_ref[0, 0:1, :] += jnp.sum(h, axis=0, keepdims=True)
    st_ref[0, 1:2, :] += jnp.sum(h * h, axis=0, keepdims=True)


def _k1i_body(xyz1_ref, xyz2t_ref, idx_ref, wgt_ref):
    b = pl.program_id(0)
    x = xyz1_ref[0]
    yz = xyz2t_ref[0]
    n2 = yz.shape[1]

    x0, x1, x2 = x[:, 0:1], x[:, 1:2], x[:, 2:3]
    z0, z1, z2 = yz[0:1, :], yz[1:2, :], yz[2:3, :]
    s1 = x0 * x0 + x1 * x1 + x2 * x2
    s2 = z0 * z0 + z1 * z1 + z2 * z2
    bf = lambda v: v.astype(jnp.bfloat16).astype(jnp.float32)
    dot = bf(x0) * bf(z0) + bf(x1) * bf(z1) + bf(x2) * bf(z2)
    dist = (-2.0 * dot + s1) + s2

    iota = jax.lax.broadcasted_iota(jnp.int32, dist.shape, 1)
    m0 = jnp.min(dist, axis=1, keepdims=True)
    d1 = jnp.where(dist == m0, jnp.inf, dist)
    m1 = jnp.min(d1, axis=1, keepdims=True)
    d2 = jnp.where(d1 == m1, jnp.inf, d1)
    m2 = jnp.min(d2, axis=1, keepdims=True)
    off = b * n2
    i0 = jnp.min(jnp.where(dist == m0, iota, n2), axis=1, keepdims=True) + off
    i1 = jnp.min(jnp.where(d1 == m1, iota, n2), axis=1, keepdims=True) + off
    i2 = jnp.min(jnp.where(d2 == m2, iota, n2), axis=1, keepdims=True) + off

    r0 = 1.0 / (m0 + 1e-8)
    r1 = 1.0 / (m1 + 1e-8)
    r2 = 1.0 / (m2 + 1e-8)
    inorm = 1.0 / (r0 + r1 + r2)
    idx_ref[0, :, 0:1] = i0
    idx_ref[0, :, 1:2] = i1
    idx_ref[0, :, 2:3] = i2
    wgt_ref[0, :, 0:1] = r0 * inorm
    wgt_ref[0, :, 1:2] = r1 * inorm
    wgt_ref[0, :, 2:3] = r2 * inorm


def _k1b_body(p1_ref, g_ref, wgt_ref, w0ah_ref, w0al_ref, w0bh_ref, w0bl_ref,
              b0_ref, y0_ref, st_ref):
    t = pl.program_id(1)
    w = wgt_ref[0]
    g = g_ref[0]
    interp = (w[:, 0:1] * g[:, 0, :]
              + w[:, 1:2] * g[:, 1, :]
              + w[:, 2:3] * g[:, 2, :])
    p1h, p1l = _split(p1_ref[0])
    ih, il = _split(interp)
    h = (_dot3(p1h, p1l, w0ah_ref[...], w0al_ref[...])
         + _dot3(ih, il, w0bh_ref[...], w0bl_ref[...])
         + b0_ref[...])
    y0_ref[0] = h

    @pl.when(t == 0)
    def _():
        st_ref[...] = jnp.zeros_like(st_ref)

    st_ref[0, 0:1, :] += jnp.sum(h, axis=0, keepdims=True)
    st_ref[0, 1:2, :] += jnp.sum(h * h, axis=0, keepdims=True)


def _sc_gather(table, idx):
    from jax.experimental.pallas import tpu_sc as plsc
    from jax import lax

    nc, ns = 2, 16
    nw = nc * ns
    bt = idx.shape[0]
    d = table.shape[1]
    chunk = 128
    b_per_w = bt // nw
    n_chunks = b_per_w // chunk
    mesh = plsc.VectorSubcoreMesh(core_axis_name="c", subcore_axis_name="s")

    @functools.partial(
        pl.kernel,
        out_type=jax.ShapeDtypeStruct((bt, d), jnp.float32),
        mesh=mesh,
        scratch_types=[
            pltpu.VMEM((chunk,), jnp.int32),
            pltpu.VMEM((chunk, d), jnp.float32),
            pltpu.SemaphoreType.DMA,
        ],
    )
    def k(table_hbm, idx_hbm, out_hbm, idx_v, rows_v, sem):
        wid = lax.axis_index("s") * nc + lax.axis_index("c")
        base = wid * b_per_w

        @pl.loop(0, n_chunks)
        def _(j):
            off = base + j * chunk
            pltpu.sync_copy(idx_hbm.at[pl.ds(off, chunk)], idx_v)
            pltpu.async_copy(table_hbm.at[idx_v], rows_v, sem).wait()
            pltpu.sync_copy(rows_v, out_hbm.at[pl.ds(off, chunk)])

    return k(table, idx)


def _k2_body(y0_ref, sc_ref, sh_ref, w1h_ref, w1l_ref, b1_ref, y1_ref, st_ref):
    t = pl.program_id(1)
    h = jnp.maximum(y0_ref[0] * sc_ref[...] + sh_ref[...], 0.0)
    hh, hl = _split(h)
    z = _dot3(hh, hl, w1h_ref[...], w1l_ref[...]) + b1_ref[...]
    y1_ref[0] = z

    @pl.when(t == 0)
    def _():
        st_ref[...] = jnp.zeros_like(st_ref)

    st_ref[0, 0:1, :] += jnp.sum(z, axis=0, keepdims=True)
    st_ref[0, 1:2, :] += jnp.sum(z * z, axis=0, keepdims=True)


def _k3_body(y1_ref, sc_ref, sh_ref, out_ref):
    out_ref[0] = jnp.maximum(y1_ref[0] * sc_ref[...] + sh_ref[...], 0.0)


def _bn_coeffs(st, n_total, gamma, beta):
    mean = st[0] / n_total
    var = st[1] / n_total - mean * mean
    scale = gamma / jnp.sqrt(var + 1e-5)
    shift = beta - mean * scale
    return scale.reshape(1, -1), shift.reshape(1, -1)


def _chain(xyz1, xyz2t, points1, points2, w0ah, w0al, w0bh, w0bl, b0r,
           w1h, w1l, b1r, gamma0, beta0, gamma1, beta1, n_total, axis_name):
    B, N1, _ = xyz1.shape
    N2 = xyz2t.shape[2]
    C1 = points1.shape[2]
    C2 = points2.shape[2]
    CO0 = w0ah.shape[1]
    CO1 = w1h.shape[1]

    tn1 = min(TN1, N1)
    tn2 = min(TN2, N1)
    nt1 = N1 // tn1
    idx3, wgt3 = pl.pallas_call(
        _k1i_body,
        grid=(B, nt1),
        in_specs=[
            pl.BlockSpec((1, tn1, 3), lambda b, t: (b, t, 0)),
            pl.BlockSpec((1, 3, N2), lambda b, t: (b, 0, 0)),
        ],
        out_specs=[
            pl.BlockSpec((1, tn1, 3), lambda b, t: (b, t, 0)),
            pl.BlockSpec((1, tn1, 3), lambda b, t: (b, t, 0)),
        ],
        out_shape=[
            jax.ShapeDtypeStruct((B, N1, 3), jnp.int32),
            jax.ShapeDtypeStruct((B, N1, 3), jnp.float32),
        ],
        compiler_params=pltpu.CompilerParams(dimension_semantics=("parallel", "arbitrary")),
    )(xyz1, xyz2t)

    gath = _sc_gather(points2.reshape(B * N2, C2), idx3.reshape(B * N1 * 3))
    gath = gath.reshape(B, N1, 3, C2)

    y0, st0 = pl.pallas_call(
        _k1b_body,
        grid=(B, nt1),
        in_specs=[
            pl.BlockSpec((1, tn1, C1), lambda b, t: (b, t, 0)),
            pl.BlockSpec((1, tn1, 3, C2), lambda b, t: (b, t, 0, 0)),
            pl.BlockSpec((1, tn1, 3), lambda b, t: (b, t, 0)),
            pl.BlockSpec((C1, CO0), lambda b, t: (0, 0)),
            pl.BlockSpec((C1, CO0), lambda b, t: (0, 0)),
            pl.BlockSpec((C2, CO0), lambda b, t: (0, 0)),
            pl.BlockSpec((C2, CO0), lambda b, t: (0, 0)),
            pl.BlockSpec((1, CO0), lambda b, t: (0, 0)),
        ],
        out_specs=[
            pl.BlockSpec((1, tn1, CO0), lambda b, t: (b, t, 0)),
            pl.BlockSpec((1, 8, CO0), lambda b, t: (b, 0, 0)),
        ],
        out_shape=[
            jax.ShapeDtypeStruct((B, N1, CO0), jnp.float32),
            jax.ShapeDtypeStruct((B, 8, CO0), jnp.float32),
        ],
        compiler_params=pltpu.CompilerParams(dimension_semantics=("parallel", "arbitrary")),
    )(points1, gath, wgt3, w0ah, w0al, w0bh, w0bl, b0r)

    st0s = jnp.sum(st0, axis=0)
    if axis_name is not None:
        st0s = jax.lax.psum(st0s, axis_name)
    sc0, sh0 = _bn_coeffs(st0s, n_total, gamma0, beta0)

    nt2 = N1 // tn2
    y1, st1 = pl.pallas_call(
        _k2_body,
        grid=(B, nt2),
        in_specs=[
            pl.BlockSpec((1, tn2, CO0), lambda b, t: (b, t, 0)),
            pl.BlockSpec((1, CO0), lambda b, t: (0, 0)),
            pl.BlockSpec((1, CO0), lambda b, t: (0, 0)),
            pl.BlockSpec((CO0, CO1), lambda b, t: (0, 0)),
            pl.BlockSpec((CO0, CO1), lambda b, t: (0, 0)),
            pl.BlockSpec((1, CO1), lambda b, t: (0, 0)),
        ],
        out_specs=[
            pl.BlockSpec((1, tn2, CO1), lambda b, t: (b, t, 0)),
            pl.BlockSpec((1, 8, CO1), lambda b, t: (b, 0, 0)),
        ],
        out_shape=[
            jax.ShapeDtypeStruct((B, N1, CO1), jnp.float32),
            jax.ShapeDtypeStruct((B, 8, CO1), jnp.float32),
        ],
        compiler_params=pltpu.CompilerParams(dimension_semantics=("parallel", "arbitrary")),
    )(y0, sc0, sh0, w1h, w1l, b1r)

    st1s = jnp.sum(st1, axis=0)
    if axis_name is not None:
        st1s = jax.lax.psum(st1s, axis_name)
    sc1, sh1 = _bn_coeffs(st1s, n_total, gamma1, beta1)

    out = pl.pallas_call(
        _k3_body,
        grid=(B, nt2),
        in_specs=[
            pl.BlockSpec((1, tn2, CO1), lambda b, t: (b, t, 0)),
            pl.BlockSpec((1, CO1), lambda b, t: (0, 0)),
            pl.BlockSpec((1, CO1), lambda b, t: (0, 0)),
        ],
        out_specs=pl.BlockSpec((1, tn2, CO1), lambda b, t: (b, t, 0)),
        out_shape=jax.ShapeDtypeStruct((B, N1, CO1), jnp.float32),
        compiler_params=pltpu.CompilerParams(dimension_semantics=("parallel", "parallel")),
    )(y1, sc1, sh1)

    return out


@jax.jit
def kernel(xyz1, xyz2, points1, points2, W0, b0, gamma0, beta0,
           W1, b1, gamma1, beta1):
    B, N1, _ = xyz1.shape
    C1 = points1.shape[2]
    CO0 = W0.shape[0]
    CO1 = W1.shape[0]
    n_total = B * N1

    xyz2t = jnp.swapaxes(xyz2, 1, 2)
    w0ah, w0al = _split(W0[:, :C1].T)
    w0bh, w0bl = _split(W0[:, C1:].T)
    w1h, w1l = _split(W1.T)
    b0r = b0.reshape(1, CO0)
    b1r = b1.reshape(1, CO1)

    return _chain(xyz1, xyz2t, points1, points2,
                  w0ah, w0al, w0bh, w0bl, b0r, w1h, w1l, b1r,
                  gamma0, beta0, gamma1, beta1, n_total, None)

# --- scband reference (transcript-rebuilt; emitter-appended) ---
"""Pipeline reference for scband-point-net-feature-propagation-53412213293940 (READ-ONLY COPY).

The authoritative reference and input builder live on the scoring server;
editing this copy changes nothing except your own understanding.
"""

import jax, jax.numpy as jnp
import numpy as np

B, N1, N2, C1, C2 = 4, 8192, 2048, 256, 256
MLP = [256, 256]
IN_CH = C1 + C2


def setup_inputs(seed: int = 0) -> dict:
    key = jax.random.key(seed)
    ks = jax.random.split(key, 16)
    inp = {
        "xyz1": jax.random.normal(ks[0], (B, N1, 3), jnp.float32),
        "xyz2": jax.random.normal(ks[1], (B, N2, 3), jnp.float32),
        "points1": jax.random.normal(ks[2], (B, N1, C1), jnp.float32),
        "points2": jax.random.normal(ks[3], (B, N2, C2), jnp.float32),
    }
    last = IN_CH
    for i, out in enumerate(MLP):
        inp[f"W{i}"] = jax.random.normal(ks[4 + 2 * i], (out, last), jnp.float32) * (1.0 / np.sqrt(last))
        inp[f"b{i}"] = jnp.zeros((out,), jnp.float32)
        inp[f"gamma{i}"] = jnp.ones((out,), jnp.float32)
        inp[f"beta{i}"] = jnp.zeros((out,), jnp.float32)
        last = out
    return inp


def _square_distance(src, dst):
    dist = -2.0 * jnp.einsum('bnc,bmc->bnm', src, dst)
    dist = dist + jnp.sum(src ** 2, -1)[:, :, None]
    dist = dist + jnp.sum(dst ** 2, -1)[:, None, :]
    return dist


def _forward(xyz1, xyz2, points1, points2, params):
    # three_nn: 3 nearest neighbors of each xyz1 point among xyz2 points
    dist = _square_distance(xyz1, xyz2)  # [B, N1, N2]
    negd, idx = jax.lax.top_k(-dist, 3)  # smallest 3 distances
    dist2 = -negd  # [B, N1, 3]
    dist_recip = 1.0 / (dist2 + 1e-08)
    norm = jnp.sum(dist_recip, axis=2, keepdims=True)
    weight = dist_recip / norm  # [B, N1, 3]
    # three_interpolate: gather + weighted sum
    gathered = jax.vmap(lambda f, i: f[i])(points2, idx)  # [B, N1, 3, C2]
    interpolated = jnp.sum(gathered * weight[..., None], axis=2)  # [B, N1, C2]
    x = jnp.concatenate([points1, interpolated], axis=-1)  # [B, N1, C1+C2]
    # pointwise MLP: Conv1d(k=1) == linear over channel dim, then BatchNorm1d (training stats) + ReLU
    for (W, b, g, be) in params:
        y = jnp.einsum('bnc,oc->bno', x, W) + b
        mean = jnp.mean(y, axis=(0, 1))
        var = jnp.var(y, axis=(0, 1))
        y = g * (y - mean) / jnp.sqrt(var + 1e-5) + be
        x = jax.nn.relu(y)
    return x  # [B, N1, MLP[-1]]


def reference(xyz1, xyz2, points1, points2, W0, b0, gamma0, beta0, W1, b1, gamma1, beta1):
    params = [(W0, b0, gamma0, beta0), (W1, b1, gamma1, beta1)]
    return _forward(xyz1, xyz2, points1, points2, params)

if __name__ == "__main__":
    import jax
    _d = setup_inputs()
    print(jax.jit(kernel)(*tuple(_d.values())))

</pallas_src>

<mosaic_0001>
#map = affine_map<(d0, d1) -> (0, 0)>
#map1 = affine_map<(d0, d1) -> (0)>
module attributes {stable_mosaic.version = 14 : i64} {
  func.func @k(%arg0: i32, %arg1: i32, %arg2: memref<8192x256xf32, #tpu.memory_space<hbm>>, %arg3: memref<98304xi32, #tpu.memory_space<hbm>>, %arg4: memref<98304x256xf32, #tpu.memory_space<hbm>>, %arg5: memref<128xi32, #tpu.memory_space<vmem>>, %arg6: memref<128x256xf32, #tpu.memory_space<vmem>>, %arg7: memref<!tpu.dma_semaphore, #tpu.memory_space<semaphore_mem>>) attributes {dimension_semantics = [#tpu.dimension_semantics<core_parallel>, #tpu.dimension_semantics<subcore_parallel>], iteration_bounds = array<i64: 2, 16>, scalar_prefetch = 0 : i64, scratch_operands = 3 : i64, tpu.core_type = #tpu.core_type<sc_vector_subcore>, window_params = [{transform_indices = #map}, {transform_indices = #map1}, {transform_indices = #map}]} {
    %mul3A = arith.constant 2 : i32
    %mul3A_0 = arith.muli %arg1, %mul3A : i32
    %add3A = arith.addi %mul3A_0, %arg0 : i32
    %mul3A_1 = arith.constant 3072 : i32
    %mul3A_2 = arith.muli %add3A, %mul3A_1 : i32
    %scan3A = arith.constant 0 : i32
    %scan3A_3 = arith.constant 24 : i32
    %scan3A_4 = arith.addi %scan3A, %scan3A_3 : i32
    %scan3A_5 = arith.constant 1 : i32
    scf.for %scan3A_7 = %scan3A to %scan3A_4 step %scan3A_5  : i32 {
      %mul3A_8 = arith.constant 1 : i32
      %mul3A_9 = arith.muli %scan3A_7, %mul3A_8 : i32
      %add3A_10 = arith.constant 0 : i32
      %add3A_11 = arith.addi %add3A_10, %mul3A_9 : i32
      %mul3A_12 = arith.constant 128 : i32
      %mul3A_13 = arith.muli %add3A_11, %mul3A_12 : i32
      %add3A_14 = arith.addi %mul3A_2, %mul3A_13 : i32
      "tpu.region"() ({
        %run_scoped3A = tpu.sem_alloc : memref<!tpu.dma_semaphore, #tpu.memory_space<semaphore_mem>>
        %dma_start3A_19 = tpu.memref_slice %arg3[%add3A_14] : memref<98304xi32, #tpu.memory_space<hbm>> -> memref<128xi32, #tpu.memory_space<hbm>>
        %dma_start3A_20 = tpu.memref_slice %arg3[%add3A_14] : memref<98304xi32, #tpu.memory_space<hbm>> -> memref<128xi32, #tpu.memory_space<hbm>>
        tpu.enqueue_dma source(%dma_start3A_20 : memref<128xi32, #tpu.memory_space<hbm>>) target(%arg5 : memref<128xi32, #tpu.memory_space<vmem>>) target_semaphore(%run_scoped3A : memref<!tpu.dma_semaphore, #tpu.memory_space<semaphore_mem>>)
        %dma_wait3A_21 = tpu.memref_slice %arg3[%add3A_14] : memref<98304xi32, #tpu.memory_space<hbm>> -> memref<128xi32, #tpu.memory_space<hbm>>
        %dma_wait3A_22 = tpu.memref_slice %arg3[%add3A_14] : memref<98304xi32, #tpu.memory_space<hbm>> -> memref<128xi32, #tpu.memory_space<hbm>>
        tpu.wait_dma2 semaphore(%run_scoped3A : memref<!tpu.dma_semaphore, #tpu.memory_space<semaphore_mem>>) src(%dma_wait3A_22 : memref<128xi32, #tpu.memory_space<hbm>>) dst(%arg5 : memref<128xi32, #tpu.memory_space<vmem>>)
        tpu.yield
      }) : () -> ()
      %dma_start3A = arith.constant 0 : i32
      %dma_start3A_15 = arith.constant 0 : i32
      %dma_start3A_16 = tpu.memref_slice %arg2[%dma_start3A, %dma_start3A_15] : memref<8192x256xf32, #tpu.memory_space<hbm>> -> memref<8192x256xf32, #tpu.memory_space<hbm>>
      tpu.enqueue_indirect_dma source(%dma_start3A_16 : memref<8192x256xf32, #tpu.memory_space<hbm>>) target(%arg6 : memref<128x256xf32, #tpu.memory_space<vmem>>) offsets(%arg5 : memref<128xi32, #tpu.memory_space<vmem>>) semaphore(%arg7 : memref<!tpu.dma_semaphore, #tpu.memory_space<semaphore_mem>>)
      %dma_wait3A = arith.constant 0 : i32
      %dma_wait3A_17 = arith.constant 0 : i32
      %dma_wait3A_18 = tpu.memref_slice %arg2[%dma_wait3A, %dma_wait3A_17] : memref<8192x256xf32, #tpu.memory_space<hbm>> -> memref<8192x256xf32, #tpu.memory_space<hbm>>
      tpu.wait_indirect_dma semaphore(%arg7 : memref<!tpu.dma_semaphore, #tpu.memory_space<semaphore_mem>>) src(%dma_wait3A_18 : memref<8192x256xf32, #tpu.memory_space<hbm>>) dst(%arg6 : memref<128x256xf32, #tpu.memory_space<vmem>>)
      "tpu.region"() ({
        %run_scoped3A = tpu.sem_alloc : memref<!tpu.dma_semaphore, #tpu.memory_space<semaphore_mem>>
        %dma_start3A_19 = arith.constant 0 : i32
        %dma_start3A_20 = tpu.memref_slice %arg4[%add3A_14, %dma_start3A_19] : memref<98304x256xf32, #tpu.memory_space<hbm>> -> memref<128x256xf32, #tpu.memory_space<hbm>>
        %dma_start3A_21 = arith.constant 0 : i32
        %dma_start3A_22 = tpu.memref_slice %arg4[%add3A_14, %dma_start3A_21] : memref<98304x256xf32, #tpu.memory_space<hbm>> -> memref<128x256xf32, #tpu.memory_space<hbm>>
        tpu.enqueue_dma source(%arg6 : memref<128x256xf32, #tpu.memory_space<vmem>>) target(%dma_start3A_22 : memref<128x256xf32, #tpu.memory_space<hbm>>) target_semaphore(%run_scoped3A : memref<!tpu.dma_semaphore, #tpu.memory_space<semaphore_mem>>)
        %dma_wait3A_23 = arith.constant 0 : i32
        %dma_wait3A_24 = tpu.memref_slice %arg4[%add3A_14, %dma_wait3A_23] : memref<98304x256xf32, #tpu.memory_space<hbm>> -> memref<128x256xf32, #tpu.memory_space<hbm>>
        %dma_wait3A_25 = arith.constant 0 : i32
        %dma_wait3A_26 = tpu.memref_slice %arg4[%add3A_14, %dma_wait3A_25] : memref<98304x256xf32, #tpu.memory_space<hbm>> -> memref<128x256xf32, #tpu.memory_space<hbm>>
        tpu.wait_dma2 semaphore(%run_scoped3A : memref<!tpu.dma_semaphore, #tpu.memory_space<semaphore_mem>>) src(%arg6 : memref<128x256xf32, #tpu.memory_space<vmem>>) dst(%dma_wait3A_26 : memref<128x256xf32, #tpu.memory_space<hbm>>)
        tpu.yield
      }) : () -> ()
    }
    %scan3A_6 = arith.constant 24 : i32
    return
  }
}

module attributes {stable_mosaic.version = 14 : i64} {
  func.func @_k1i_body(%arg0: i32, %arg1: i32, %arg2: memref<1x256x3xf32, #tpu.memory_space<vmem>>, %arg3: memref<1x3x2048xf32, #tpu.memory_space<vmem>>, %arg4: memref<1x256x3xi32, #tpu.memory_space<vmem>>, %arg5: memref<1x256x3xf32, #tpu.memory_space<vmem>>) attributes {dimension_semantics = [#tpu.dimension_semantics<parallel>, #tpu.dimension_semantics<arbitrary>], iteration_bounds = array<i64: 4, 32>, scalar_prefetch = 0 : i64, scratch_operands = 0 : i64, tpu.core_type = #tpu.core_type<tc>, window_params = [{transform_indices = @transform_0, window_bounds = array<i64: 1, 256, 3>}, {transform_indices = @transform_1, window_bounds = array<i64: 1, 3, 2048>}, {transform_indices = @transform_2, window_bounds = array<i64: 1, 256, 3>}, {transform_indices = @transform_3, window_bounds = array<i64: 1, 256, 3>}]} {
    %get3A = arith.constant 0 : index
    %get3A_0 = arith.constant 0 : index
    %get3A_1 = arith.constant 0 : index
    %get3A_2 = vector.load %arg2[%get3A, %get3A_0, %get3A_1] : memref<1x256x3xf32, #tpu.memory_space<vmem>>, vector<1x256x3xf32>
    %get3A_3 = vector.shape_cast %get3A_2 : vector<1x256x3xf32> to vector<256x3xf32>
    %get3A_4 = arith.constant 0 : index
    %get3A_5 = arith.constant 0 : index
    %get3A_6 = arith.constant 0 : index
    %get3A_7 = vector.load %arg3[%get3A_4, %get3A_5, %get3A_6] : memref<1x3x2048xf32, #tpu.memory_space<vmem>>, vector<1x3x2048xf32>
    %get3A_8 = vector.shape_cast %get3A_7 : vector<1x3x2048xf32> to vector<3x2048xf32>
    %slice3A = vector.extract_strided_slice %get3A_3 {offsets = [0, 0], sizes = [256, 1], strides = [1, 1]} : vector<256x3xf32> to vector<256x1xf32>
    %slice3A_9 = vector.extract_strided_slice %get3A_3 {offsets = [0, 1], sizes = [256, 1], strides = [1, 1]} : vector<256x3xf32> to vector<256x1xf32>
    %slice3A_10 = vector.extract_strided_slice %get3A_3 {offsets = [0, 2], sizes = [256, 1], strides = [1, 1]} : vector<256x3xf32> to vector<256x1xf32>
    %slice3A_11 = vector.extract_strided_slice %get3A_8 {offsets = [0, 0], sizes = [1, 2048], strides = [1, 1]} : vector<3x2048xf32> to vector<1x2048xf32>
    %slice3A_12 = vector.extract_strided_slice %get3A_8 {offsets = [1, 0], sizes = [1, 2048], strides = [1, 1]} : vector<3x2048xf32> to vector<1x2048xf32>
    %slice3A_13 = vector.extract_strided_slice %get3A_8 {offsets = [2, 0], sizes = [1, 2048], strides = [1, 1]} : vector<3x2048xf32> to vector<1x2048xf32>
    %mul3A = arith.mulf %slice3A, %slice3A : vector<256x1xf32>
    %mul3A_14 = arith.mulf %slice3A_9, %slice3A_9 : vector<256x1xf32>
    %add3A = arith.addf %mul3A, %mul3A_14 : vector<256x1xf32>
    %mul3A_15 = arith.mulf %slice3A_10, %slice3A_10 : vector<256x1xf32>
    %add3A_16 = arith.addf %add3A, %mul3A_15 : vector<256x1xf32>
    %mul3A_17 = arith.mulf %slice3A_11, %slice3A_11 : vector<1x2048xf32>
    %mul3A_18 = arith.mulf %slice3A_12, %slice3A_12 : vector<1x2048xf32>
    %add3A_19 = arith.addf %mul3A_17, %mul3A_18 : vector<1x2048xf32>
    %mul3A_20 = arith.mulf %slice3A_13, %slice3A_13 : vector<1x2048xf32>
    %add3A_21 = arith.addf %add3A_19, %mul3A_20 : vector<1x2048xf32>
    %convert_element_type3A = arith.truncf %slice3A : vector<256x1xf32> to vector<256x1xbf16>
    %convert_element_type3A_22 = arith.extf %convert_element_type3A : vector<256x1xbf16> to vector<256x1xf32>
    %convert_element_type3A_23 = arith.truncf %slice3A_11 : vector<1x2048xf32> to vector<1x2048xbf16>
    %convert_element_type3A_24 = arith.extf %convert_element_type3A_23 : vector<1x2048xbf16> to vector<1x2048xf32>
    %mul3A_25 = vector.broadcast %convert_element_type3A_22 : vector<256x1xf32> to vector<256x2048xf32>
    %mul3A_26 = vector.broadcast %convert_element_type3A_24 : vector<1x2048xf32> to vector<256x2048xf32>
    %mul3A_27 = arith.mulf %mul3A_25, %mul3A_26 : vector<256x2048xf32>
    %convert_element_type3A_28 = arith.truncf %slice3A_9 : vector<256x1xf32> to vector<256x1xbf16>
    %convert_element_type3A_29 = arith.extf %convert_element_type3A_28 : vector<256x1xbf16> to vector<256x1xf32>
    %convert_element_type3A_30 = arith.truncf %slice3A_12 : vector<1x2048xf32> to vector<1x2048xbf16>
    %convert_element_type3A_31 = arith.extf %convert_element_type3A_30 : vector<1x2048xbf16> to vector<1x2048xf32>
    %mul3A_32 = vector.broadcast %convert_element_type3A_29 : vector<256x1xf32> to vector<256x2048xf32>
    %mul3A_33 = vector.broadcast %convert_element_type3A_31 : vector<1x2048xf32> to vector<256x2048xf32>
    %mul3A_34 = arith.mulf %mul3A_32, %mul3A_33 : vector<256x2048xf32>
    %add3A_35 = arith.addf %mul3A_27, %mul3A_34 : vector<256x2048xf32>
    %convert_element_type3A_36 = arith.truncf %slice3A_10 : vector<256x1xf32> to vector<256x1xbf16>
    %convert_element_type3A_37 = arith.extf %convert_element_type3A_36 : vector<256x1xbf16> to vector<256x1xf32>
    %convert_element_type3A_38 = arith.truncf %slice3A_13 : vector<1x2048xf32> to vector<1x2048xbf16>
    %convert_element_type3A_39 = arith.extf %convert_element_type3A_38 : vector<1x2048xbf16> to vector<1x2048xf32>
    %mul3A_40 = vector.broadcast %convert_element_type3A_37 : vector<256x1xf32> to vector<256x2048xf32>
    %mul3A_41 = vector.broadcast %convert_element_type3A_39 : vector<1x2048xf32> to vector<256x2048xf32>
    %mul3A_42 = arith.mulf %mul3A_40, %mul3A_41 : vector<256x2048xf32>
    %add3A_43 = arith.addf %add3A_35, %mul3A_42 : vector<256x2048xf32>
    %mul3A_44 = arith.constant -2.000000e+00 : f32
    %mul3A_45 = vector.broadcast %mul3A_44 : f32 to vector<256x2048xf32>
    %mul3A_46 = arith.mulf %mul3A_45, %add3A_43 : vector<256x2048xf32>
    %add3A_47 = vector.broadcast %add3A_16 : vector<256x1xf32> to vector<256x2048xf32>
    %add3A_48 = arith.addf %mul3A_46, %add3A_47 : vector<256x2048xf32>
    %add3A_49 = vector.broadcast %add3A_21 : vector<1x2048xf32> to vector<256x2048xf32>
    %add3A_50 = arith.addf %add3A_48, %add3A_49 : vector<256x2048xf32>
    %iota3A = tpu.iota {dimensions = array<i32: 1>} : vector<256x2048xi32>
    %reduce_min3A = arith.constant dense<0x7F800000> : vector<256xf32>
    %reduce_min3A_51 = vector.multi_reduction <minimumf>, %add3A_50, %reduce_min3A [1] : vector<256x2048xf32> to vector<256xf32>
    %broadcast_in_dim3A = vector.shape_cast %reduce_min3A_51 : vector<256xf32> to vector<256x1xf32>
    %eq3A = vector.broadcast %broadcast_in_dim3A : vector<256x1xf32> to vector<256x2048xf32>
    %eq3A_52 = arith.cmpf oeq, %add3A_50, %eq3A : vector<256x2048xf32>
    %jit3A = arith.constant 0x7F800000 : f32
    %broadcast_in_dim3A_53 = vector.broadcast %jit3A : f32 to vector<256x2048xf32>
    %select_n3A = arith.select %eq3A_52, %broadcast_in_dim3A_53, %add3A_50 : vector<256x2048xi1>, vector<256x2048xf32>
    %reduce_min3A_54 = arith.constant dense<0x7F800000> : vector<256xf32>
    %reduce_min3A_55 = vector.multi_reduction <minimumf>, %select_n3A, %reduce_min3A_54 [1] : vector<256x2048xf32> to vector<256xf32>
    %broadcast_in_dim3A_56 = vector.shape_cast %reduce_min3A_55 : vector<256xf32> to vector<256x1xf32>
    %eq3A_57 = vector.broadcast %broadcast_in_dim3A_56 : vector<256x1xf32> to vector<256x2048xf32>
    %eq3A_58 = arith.cmpf oeq, %select_n3A, %eq3A_57 : vector<256x2048xf32>
    %jit3A_59 = arith.constant 0x7F800000 : f32
    %broadcast_in_dim3A_60 = vector.broadcast %jit3A_59 : f32 to vector<256x2048xf32>
    %select_n3A_61 = arith.select %eq3A_58, %broadcast_in_dim3A_60, %select_n3A : vector<256x2048xi1>, vector<256x2048xf32>
    %reduce_min3A_62 = arith.constant dense<0x7F800000> : vector<256xf32>
    %reduce_min3A_63 = vector.multi_reduction <minimumf>, %select_n3A_61, %reduce_min3A_62 [1] : vector<256x2048xf32> to vector<256xf32>
    %broadcast_in_dim3A_64 = vector.shape_cast %reduce_min3A_63 : vector<256xf32> to vector<256x1xf32>
    %mul3A_65 = arith.constant 2048 : i32
    %mul3A_66 = arith.muli %arg0, %mul3A_65 : i32
    %eq3A_67 = vector.broadcast %broadcast_in_dim3A : vector<256x1xf32> to vector<256x2048xf32>
    %eq3A_68 = arith.cmpf oeq, %add3A_50, %eq3A_67 : vector<256x2048xf32>
    %jit3A_69 = arith.constant 2048 : i32
    %broadcast_in_dim3A_70 = vector.broadcast %jit3A_69 : i32 to vector<256x2048xi32>
    %select_n3A_71 = arith.select %eq3A_68, %iota3A, %broadcast_in_dim3A_70 : vector<256x2048xi1>, vector<256x2048xi32>
    %reduce_min3A_72 = arith.constant dense<2147483647> : vector<256xi32>
    %reduce_min3A_73 = vector.multi_reduction <minsi>, %select_n3A_71, %reduce_min3A_72 [1] : vector<256x2048xi32> to vector<256xi32>
    %broadcast_in_dim3A_74 = vector.shape_cast %reduce_min3A_73 : vector<256xi32> to vector<256x1xi32>
    %add3A_75 = vector.broadcast %mul3A_66 : i32 to vector<256x1xi32>
    %add3A_76 = arith.addi %broadcast_in_dim3A_74, %add3A_75 : vector<256x1xi32>
    %eq3A_77 = vector.broadcast %broadcast_in_dim3A_56 : vector<256x1xf32> to vector<256x2048xf32>
    %eq3A_78 = arith.cmpf oeq, %select_n3A, %eq3A_77 : vector<256x2048xf32>
    %jit3A_79 = arith.constant 2048 : i32
    %broadcast_in_dim3A_80 = vector.broadcast %jit3A_79 : i32 to vector<256x2048xi32>
    %select_n3A_81 = arith.select %eq3A_78, %iota3A, %broadcast_in_dim3A_80 : vector<256x2048xi1>, vector<256x2048xi32>
    %reduce_min3A_82 = arith.constant dense<2147483647> : vector<256xi32>
    %reduce_min3A_83 = vector.multi_reduction <minsi>, %select_n3A_81, %reduce_min3A_82 [1] : vector<256x2048xi32> to vector<256xi32>
    %broadcast_in_dim3A_84 = vector.shape_cast %reduce_min3A_83 : vector<256xi32> to vector<256x1xi32>
    %add3A_85 = vector.broadcast %mul3A_66 : i32 to vector<256x1xi32>
    %add3A_86 = arith.addi %broadcast_in_dim3A_84, %add3A_85 : vector<256x1xi32>
    %eq3A_87 = vector.broadcast %broadcast_in_dim3A_64 : vector<256x1xf32> to vector<256x2048xf32>
    %eq3A_88 = arith.cmpf oeq, %select_n3A_61, %eq3A_87 : vector<256x2048xf32>
    %jit3A_89 = arith.constant 2048 : i32
    %broadcast_in_dim3A_90 = vector.broadcast %jit3A_89 : i32 to vector<256x2048xi32>
    %select_n3A_91 = arith.select %eq3A_88, %iota3A, %broadcast_in_dim3A_90 : vector<256x2048xi1>, vector<256x2048xi32>
    %reduce_min3A_92 = arith.constant dense<2147483647> : vector<256xi32>
    %reduce_min3A_93 = vector.multi_reduction <minsi>, %select_n3A_91, %reduce_min3A_92 [1] : vector<256x2048xi32> to vector<256xi32>
    %broadcast_in_dim3A_94 = vector.shape_cast %reduce_min3A_93 : vector<256xi32> to vector<256x1xi32>
    %add3A_95 = vector.broadcast %mul3A_66 : i32 to vector<256x1xi32>
    %add3A_96 = arith.addi %broadcast_in_dim3A_94, %add3A_95 : vector<256x1xi32>
    %add3A_97 = arith.constant 9.99999993E-9 : f32
    %add3A_98 = vector.broadcast %add3A_97 : f32 to vector<256x1xf32>
    %add3A_99 = arith.addf %broadcast_in_dim3A, %add3A_98 : vector<256x1xf32>
    %div3A = arith.constant 1.000000e+00 : f32
    %div3A_100 = vector.broadcast %div3A : f32 to vector<256x1xf32>
    %div3A_101 = arith.divf %div3A_100, %add3A_99 : vector<256x1xf32>
    %add3A_102 = arith.constant 9.99999993E-9 : f32
    %add3A_103 = vector.broadcast %add3A_102 : f32 to vector<256x1xf32>
    %add3A_104 = arith.addf %broadcast_in_dim3A_56, %add3A_103 : vector<256x1xf32>
    %div3A_105 = arith.constant 1.000000e+00 : f32
    %div3A_106 = vector.broadcast %div3A_105 : f32 to vector<256x1xf32>
    %div3A_107 = arith.divf %div3A_106, %add3A_104 : vector<256x1xf32>
    %add3A_108 = arith.constant 9.99999993E-9 : f32
    %add3A_109 = vector.broadcast %add3A_108 : f32 to vector<256x1xf32>
    %add3A_110 = arith.addf %broadcast_in_dim3A_64, %add3A_109 : vector<256x1xf32>
    %div3A_111 = arith.constant 1.000000e+00 : f32
    %div3A_112 = vector.broadcast %div3A_111 : f32 to vector<256x1xf32>
    %div3A_113 = arith.divf %div3A_112, %add3A_110 : vector<256x1xf32>
    %add3A_114 = arith.addf %div3A_101, %div3A_107 : vector<256x1xf32>
    %add3A_115 = arith.addf %add3A_114, %div3A_113 : vector<256x1xf32>
    %div3A_116 = arith.constant 1.000000e+00 : f32
    %div3A_117 = vector.broadcast %div3A_116 : f32 to vector<256x1xf32>
    %div3A_118 = arith.divf %div3A_117, %add3A_115 : vector<256x1xf32>
    %swap3A = arith.constant 0 : index
    %swap3A_119 = arith.constant 0 : index
    %swap3A_120 = arith.constant 0 : index
    %swap3A_121 = vector.load %arg4[%swap3A, %swap3A_119, %swap3A_120] : memref<1x256x3xi32, #tpu.memory_space<vmem>>, vector<1x256x1xi32>
    %swap3A_122 = vector.shape_cast %swap3A_121 : vector<1x256x1xi32> to vector<256x1xi32>
    %swap3A_123 = vector.shape_cast %add3A_76 : vector<256x1xi32> to vector<1x256x1xi32>
    tpu.vector_store %arg4[%swap3A, %swap3A_119, %swap3A_120], %swap3A_123 {strides = array<i32>} : memref<1x256x3xi32, #tpu.memory_space<vmem>>, vector<1x256x1xi32>,
    %swap3A_124 = arith.constant 0 : index
    %swap3A_125 = arith.constant 0 : index
    %swap3A_126 = arith.constant 1 : index
    %swap3A_127 = vector.load %arg4[%swap3A_124, %swap3A_125, %swap3A_126] : memref<1x256x3xi32, #tpu.memory_space<vmem>>, vector<1x256x1xi32>
    %swap3A_128 = vector.shape_cast %swap3A_127 : vector<1x256x1xi32> to vector<256x1xi32>
    %swap3A_129 = vector.shape_cast %add3A_86 : vector<256x1xi32> to vector<1x256x1xi32>
    tpu.vector_store %arg4[%swap3A_124, %swap3A_125, %swap3A_126], %swap3A_129 {strides = array<i32>} : memref<1x256x3xi32, #tpu.memory_space<vmem>>, vector<1x256x1xi32>,
    %swap3A_130 = arith.constant 0 : index
    %swap3A_131 = arith.constant 0 : index
    %swap3A_132 = arith.constant 2 : index
    %swap3A_133 = vector.load %arg4[%swap3A_130, %swap3A_131, %swap3A_132] : memref<1x256x3xi32, #tpu.memory_space<vmem>>, vector<1x256x1xi32>
    %swap3A_134 = vector.shape_cast %swap3A_133 : vector<1x256x1xi32> to vector<256x1xi32>
    %swap3A_135 = vector.shape_cast %add3A_96 : vector<256x1xi32> to vector<1x256x1xi32>
    tpu.vector_store %arg4[%swap3A_130, %swap3A_131, %swap3A_132], %swap3A_135 {strides = array<i32>} : memref<1x256x3xi32, #tpu.memory_space<vmem>>, vector<1x256x1xi32>,
    %mul3A_136 = arith.mulf %div3A_101, %div3A_118 : vector<256x1xf32>
    %swap3A_137 = arith.constant 0 : index
    %swap3A_138 = arith.constant 0 : index
    %swap3A_139 = arith.constant 0 : index
    %swap3A_140 = vector.load %arg5[%swap3A_137, %swap3A_138, %swap3A_139] : memref<1x256x3xf32, #tpu.memory_space<vmem>>, vector<1x256x1xf32>
    %swap3A_141 = vector.shape_cast %swap3A_140 : vector<1x256x1xf32> to vector<256x1xf32>
    %swap3A_142 = vector.shape_cast %mul3A_136 : vector<256x1xf32> to vector<1x256x1xf32>
    tpu.vector_store %arg5[%swap3A_137, %swap3A_138, %swap3A_139], %swap3A_142 {strides = array<i32>} : memref<1x256x3xf32, #tpu.memory_space<vmem>>, vector<1x256x1xf32>,
    %mul3A_143 = arith.mulf %div3A_107, %div3A_118 : vector<256x1xf32>
    %swap3A_144 = arith.constant 0 : index
    %swap3A_145 = arith.constant 0 : index
    %swap3A_146 = arith.constant 1 : index
    %swap3A_147 = vector.load %arg5[%swap3A_144, %swap3A_145, %swap3A_146] : memref<1x256x3xf32, #tpu.memory_space<vmem>>, vector<1x256x1xf32>
    %swap3A_148 = vector.shape_cast %swap3A_147 : vector<1x256x1xf32> to vector<256x1xf32>
    %swap3A_149 = vector.shape_cast %mul3A_143 : vector<256x1xf32> to vector<1x256x1xf32>
    tpu.vector_store %arg5[%swap3A_144, %swap3A_145, %swap3A_146], %swap3A_149 {strides = array<i32>} : memref<1x256x3xf32, #tpu.memory_space<vmem>>, vector<1x256x1xf32>,
    %mul3A_150 = arith.mulf %div3A_113, %div3A_118 : vector<256x1xf32>
    %swap3A_151 = arith.constant 0 : index
    %swap3A_152 = arith.constant 0 : index
    %swap3A_153 = arith.constant 2 : index
    %swap3A_154 = vector.load %arg5[%swap3A_151, %swap3A_152, %swap3A_153] : memref<1x256x3xf32, #tpu.memory_space<vmem>>, vector<1x256x1xf32>
    %swap3A_155 = vector.shape_cast %swap3A_154 : vector<1x256x1xf32> to vector<256x1xf32>
    %swap3A_156 = vector.shape_cast %mul3A_150 : vector<256x1xf32> to vector<1x256x1xf32>
    tpu.vector_store %arg5[%swap3A_151, %swap3A_152, %swap3A_153], %swap3A_156 {strides = array<i32>} : memref<1x256x3xf32, #tpu.memory_space<vmem>>, vector<1x256x1xf32>,
    return
  }
  func.func @transform_0(%arg0: i32, %arg1: i32) -> (i32, i32, i32) {
    %c0_i32 = arith.constant 0 : i32
    %c0_i32_0 = arith.constant 0 : i32
    return %arg0, %arg1, %c0_i32 : i32, i32, i32
  }
  func.func @transform_1(%arg0: i32, %arg1: i32) -> (i32, i32, i32) {
    %c0_i32 = arith.constant 0 : i32
    %c0_i32_0 = arith.constant 0 : i32
    %c0_i32_1 = arith.constant 0 : i32
    return %arg0, %c0_i32, %c0_i32_0 : i32, i32, i32
  }
  func.func @transform_2(%arg0: i32, %arg1: i32) -> (i32, i32, i32) {
    %c0_i32 = arith.constant 0 : i32
    %c0_i32_0 = arith.constant 0 : i32
    return %arg0, %arg1, %c0_i32 : i32, i32, i32
  }
  func.func @transform_3(%arg0: i32, %arg1: i32) -> (i32, i32, i32) {
    %c0_i32 = arith.constant 0 : i32
    %c0_i32_0 = arith.constant 0 : i32
    return %arg0, %arg1, %c0_i32 : i32, i32, i32
  }
}

module attributes {stable_mosaic.version = 14 : i64} {
  func.func @_k1b_body(%arg0: i32, %arg1: i32, %arg2: memref<1x256x256xf32, #tpu.memory_space<vmem>>, %arg3: memref<1x256x3x256xf32, #tpu.memory_space<vmem>>, %arg4: memref<1x256x3xf32, #tpu.memory_space<vmem>>, %arg5: memref<256x256xbf16, #tpu.memory_space<vmem>>, %arg6: memref<256x256xbf16, #tpu.memory_space<vmem>>, %arg7: memref<256x256xbf16, #tpu.memory_space<vmem>>, %arg8: memref<256x256xbf16, #tpu.memory_space<vmem>>, %arg9: memref<1x256xf32, #tpu.memory_space<vmem>>, %arg10: memref<1x256x256xf32, #tpu.memory_space<vmem>>, %arg11: memref<1x8x256xf32, #tpu.memory_space<vmem>>) attributes {dimension_semantics = [#tpu.dimension_semantics<parallel>, #tpu.dimension_semantics<arbitrary>], iteration_bounds = array<i64: 4, 32>, scalar_prefetch = 0 : i64, scratch_operands = 0 : i64, tpu.core_type = #tpu.core_type<tc>, window_params = [{transform_indices = @transform_0, window_bounds = array<i64: 1, 256, 256>}, {transform_indices = @transform_1, window_bounds = array<i64: 1, 256, 3, 256>}, {transform_indices = @transform_2, window_bounds = array<i64: 1, 256, 3>}, {pipeline_mode = #tpu.pipeline_mode<synchronous>, transform_indices = @transform_3, window_bounds = array<i64: 256, 256>}, {pipeline_mode = #tpu.pipeline_mode<synchronous>, transform_indices = @transform_4, window_bounds = array<i64: 256, 256>}, {pipeline_mode = #tpu.pipeline_mode<synchronous>, transform_indices = @transform_5, window_bounds = array<i64: 256, 256>}, {pipeline_mode = #tpu.pipeline_mode<synchronous>, transform_indices = @transform_6, window_bounds = array<i64: 256, 256>}, {pipeline_mode = #tpu.pipeline_mode<synchronous>, transform_indices = @transform_7, window_bounds = array<i64: 1, 256>}, {transform_indices = @transform_8, window_bounds = array<i64: 1, 256, 256>}, {transform_indices = @transform_9, window_bounds = array<i64: 1, 8, 256>}]} {
    %get3A = arith.constant 0 : index
    %get3A_0 = arith.constant 0 : index
    %get3A_1 = arith.constant 0 : index
    %get3A_2 = vector.load %arg4[%get3A, %get3A_0, %get3A_1] : memref<1x256x3xf32, #tpu.memory_space<vmem>>, vector<1x256x3xf32>
    %get3A_3 = vector.shape_cast %get3A_2 : vector<1x256x3xf32> to vector<256x3xf32>
    %get3A_4 = arith.constant 0 : index
    %get3A_5 = arith.constant 0 : index
    %get3A_6 = arith.constant 0 : index
    %get3A_7 = arith.constant 0 : index
    %get3A_8 = vector.load %arg3[%get3A_4, %get3A_5, %get3A_6, %get3A_7] : memref<1x256x3x256xf32, #tpu.memory_space<vmem>>, vector<1x256x3x256xf32>
    %get3A_9 = vector.shape_cast %get3A_8 : vector<1x256x3x256xf32> to vector<256x3x256xf32>
    %slice3A = vector.extract_strided_slice %get3A_3 {offsets = [0, 0], sizes = [256, 1], strides = [1, 1]} : vector<256x3xf32> to vector<256x1xf32>
    %slice3A_10 = vector.extract_strided_slice %get3A_9 {offsets = [0, 0, 0], sizes = [256, 1, 256], strides = [1, 1, 1]} : vector<256x3x256xf32> to vector<256x1x256xf32>
    %squeeze3A = vector.shape_cast %slice3A_10 : vector<256x1x256xf32> to vector<256x256xf32>
    %mul3A = vector.broadcast %slice3A : vector<256x1xf32> to vector<256x256xf32>
    %mul3A_11 = arith.mulf %mul3A, %squeeze3A : vector<256x256xf32>
    %slice3A_12 = vector.extract_strided_slice %get3A_3 {offsets = [0, 1], sizes = [256, 1], strides = [1, 1]} : vector<256x3xf32> to vector<256x1xf32>
    %slice3A_13 = vector.extract_strided_slice %get3A_9 {offsets = [0, 1, 0], sizes = [256, 1, 256], strides = [1, 1, 1]} : vector<256x3x256xf32> to vector<256x1x256xf32>
    %squeeze3A_14 = vector.shape_cast %slice3A_13 : vector<256x1x256xf32> to vector<256x256xf32>
    %mul3A_15 = vector.broadcast %slice3A_12 : vector<256x1xf32> to vector<256x256xf32>
    %mul3A_16 = arith.mulf %mul3A_15, %squeeze3A_14 : vector<256x256xf32>
    %add3A = arith.addf %mul3A_11, %mul3A_16 : vector<256x256xf32>
    %slice3A_17 = vector.extract_strided_slice %get3A_3 {offsets = [0, 2], sizes = [256, 1], strides = [1, 1]} : vector<256x3xf32> to vector<256x1xf32>
    %slice3A_18 = vector.extract_strided_slice %get3A_9 {offsets = [0, 2, 0], sizes = [256, 1, 256], strides = [1, 1, 1]} : vector<256x3x256xf32> to vector<256x1x256xf32>
    %squeeze3A_19 = vector.shape_cast %slice3A_18 : vector<256x1x256xf32> to vector<256x256xf32>
    %mul3A_20 = vector.broadcast %slice3A_17 : vector<256x1xf32> to vector<256x256xf32>
    %mul3A_21 = arith.mulf %mul3A_20, %squeeze3A_19 : vector<256x256xf32>
    %add3A_22 = arith.addf %add3A, %mul3A_21 : vector<256x256xf32>
    %get3A_23 = arith.constant 0 : index
    %get3A_24 = arith.constant 0 : index
    %get3A_25 = arith.constant 0 : index
    %get3A_26 = vector.load %arg2[%get3A_23, %get3A_24, %get3A_25] : memref<1x256x256xf32, #tpu.memory_space<vmem>>, vector<1x256x256xf32>
    %get3A_27 = vector.shape_cast %get3A_26 : vector<1x256x256xf32> to vector<256x256xf32>
    %convert_element_type3A = arith.truncf %get3A_27 : vector<256x256xf32> to vector<256x256xbf16>
    %convert_element_type3A_28 = arith.extf %convert_element_type3A : vector<256x256xbf16> to vector<256x256xf32>
    %sub3A = arith.subf %get3A_27, %convert_element_type3A_28 : vector<256x256xf32>
    %convert_element_type3A_29 = arith.truncf %sub3A : vector<256x256xf32> to vector<256x256xbf16>
    %convert_element_type3A_30 = arith.truncf %add3A_22 : vector<256x256xf32> to vector<256x256xbf16>
    %convert_element_type3A_31 = arith.extf %convert_element_type3A_30 : vector<256x256xbf16> to vector<256x256xf32>
    %sub3A_32 = arith.subf %add3A_22, %convert_element_type3A_31 : vector<256x256xf32>
    %convert_element_type3A_33 = arith.truncf %sub3A_32 : vector<256x256xf32> to vector<256x256xbf16>
    %get3A_34 = arith.constant 0 : index
    %get3A_35 = arith.constant 0 : index
    %get3A_36 = vector.load %arg5[%get3A_34, %get3A_35] : memref<256x256xbf16, #tpu.memory_space<vmem>>, vector<256x256xbf16>
    %get3A_37 = arith.constant 0 : index
    %get3A_38 = arith.constant 0 : index
    %get3A_39 = vector.load %arg6[%get3A_37, %get3A_38] : memref<256x256xbf16, #tpu.memory_space<vmem>>, vector<256x256xbf16>
    %dot_general3A = arith.constant dense<0.000000e+00> : vector<256x256xf32>
    %dot_general3A_40 = tpu.matmul %convert_element_type3A, %get3A_36, %dot_general3A {dimension_numbers = #tpu.dot_dimension_numbers<[1], [0], [0], [1], [0, 0, 1, 1], [], []>, transpose_lhs_hint = false} : vector<256x256xbf16>, vector<256x256xbf16>, vector<256x256xf32> -> vector<256x256xf32>
    %dot_general3A_41 = arith.constant dense<0.000000e+00> : vector<256x256xf32>
    %dot_general3A_42 = tpu.matmul %convert_element_type3A, %get3A_39, %dot_general3A_41 {dimension_numbers = #tpu.dot_dimension_numbers<[1], [0], [0], [1], [0, 0, 1, 1], [], []>, transpose_lhs_hint = false} : vector<256x256xbf16>, vector<256x256xbf16>, vector<256x256xf32> -> vector<256x256xf32>
    %add3A_43 = arith.addf %dot_general3A_40, %dot_general3A_42 : vector<256x256xf32>
    %dot_general3A_44 = arith.constant dense<0.000000e+00> : vector<256x256xf32>
    %dot_general3A_45 = tpu.matmul %convert_element_type3A_29, %get3A_36, %dot_general3A_44 {dimension_numbers = #tpu.dot_dimension_numbers<[1], [0], [0], [1], [0, 0, 1, 1], [], []>, transpose_lhs_hint = false} : vector<256x256xbf16>, vector<256x256xbf16>, vector<256x256xf32> -> vector<256x256xf32>
    %add3A_46 = arith.addf %add3A_43, %dot_general3A_45 : vector<256x256xf32>
    %get3A_47 = arith.constant 0 : index
    %get3A_48 = arith.constant 0 : index
    %get3A_49 = vector.load %arg7[%get3A_47, %get3A_48] : memref<256x256xbf16, #tpu.memory_space<vmem>>, vector<256x256xbf16>
    %get3A_50 = arith.constant 0 : index
    %get3A_51 = arith.constant 0 : index
    %get3A_52 = vector.load %arg8[%get3A_50, %get3A_51] : memref<256x256xbf16, #tpu.memory_space<vmem>>, vector<256x256xbf16>
    %dot_general3A_53 = arith.constant dense<0.000000e+00> : vector<256x256xf32>
    %dot_general3A_54 = tpu.matmul %convert_element_type3A_30, %get3A_49, %dot_general3A_53 {dimension_numbers = #tpu.dot_dimension_numbers<[1], [0], [0], [1], [0, 0, 1, 1], [], []>, transpose_lhs_hint = false} : vector<256x256xbf16>, vector<256x256xbf16>, vector<256x256xf32> -> vector<256x256xf32>
    %dot_general3A_55 = arith.constant dense<0.000000e+00> : vector<256x256xf32>
    %dot_general3A_56 = tpu.matmul %convert_element_type3A_30, %get3A_52, %dot_general3A_55 {dimension_numbers = #tpu.dot_dimension_numbers<[1], [0], [0], [1], [0, 0, 1, 1], [], []>, transpose_lhs_hint = false} : vector<256x256xbf16>, vector<256x256xbf16>, vector<256x256xf32> -> vector<256x256xf32>
    %add3A_57 = arith.addf %dot_general3A_54, %dot_general3A_56 : vector<256x256xf32>
    %dot_general3A_58 = arith.constant dense<0.000000e+00> : vector<256x256xf32>
    %dot_general3A_59 = tpu.matmul %convert_element_type3A_33, %get3A_49, %dot_general3A_58 {dimension_numbers = #tpu.dot_dimension_numbers<[1], [0], [0], [1], [0, 0, 1, 1], [], []>, transpose_lhs_hint = false} : vector<256x256xbf16>, vector<256x256xbf16>, vector<256x256xf32> -> vector<256x256xf32>
    %add3A_60 = arith.addf %add3A_57, %dot_general3A_59 : vector<256x256xf32>
    %add3A_61 = arith.addf %add3A_46, %add3A_60 : vector<256x256xf32>
    %get3A_62 = arith.constant 0 : index
    %get3A_63 = arith.constant 0 : index
    %get3A_64 = vector.load %arg9[%get3A_62, %get3A_63] : memref<1x256xf32, #tpu.memory_space<vmem>>, vector<1x256xf32>
    %add3A_65 = vector.broadcast %get3A_64 : vector<1x256xf32> to vector<256x256xf32>
    %add3A_66 = arith.addf %add3A_61, %add3A_65 : vector<256x256xf32>
    %swap3A = arith.constant 0 : index
    %swap3A_67 = arith.constant 0 : index
    %swap3A_68 = arith.constant 0 : index
    %swap3A_69 = vector.load %arg10[%swap3A, %swap3A_67, %swap3A_68] : memref<1x256x256xf32, #tpu.memory_space<vmem>>, vector<1x256x256xf32>
    %swap3A_70 = vector.shape_cast %swap3A_69 : vector<1x256x256xf32> to vector<256x256xf32>
    %swap3A_71 = vector.shape_cast %add3A_66 : vector<256x256xf32> to vector<1x256x256xf32>
    tpu.vector_store %arg10[%swap3A, %swap3A_67, %swap3A_68], %swap3A_71 {strides = array<i32>} : memref<1x256x256xf32, #tpu.memory_space<vmem>>, vector<1x256x256xf32>,
    %eq3A = arith.constant 0 : i32
    %eq3A_72 = arith.cmpi eq, %arg1, %eq3A : i32
    %convert_element_type3A_73 = arith.extui %eq3A_72 : i1 to i32
    %cond3A = arith.constant 0 : i32
    %cond3A_74 = arith.cmpi ne, %convert_element_type3A_73, %cond3A : i32
    scf.if %cond3A_74 {
      %broadcast_in_dim3A_104 = arith.constant 0.000000e+00 : f32
      %broadcast_in_dim3A_105 = vector.broadcast %broadcast_in_dim3A_104 : f32 to vector<1x8x256xf32>
      %swap3A_106 = arith.constant 0 : index
      %swap3A_107 = arith.constant 0 : index
      %swap3A_108 = arith.constant 0 : index
      %swap3A_109 = vector.load %arg11[%swap3A_106, %swap3A_107, %swap3A_108] : memref<1x8x256xf32, #tpu.memory_space<vmem>>, vector<1x8x256xf32>
      tpu.vector_store %arg11[%swap3A_106, %swap3A_107, %swap3A_108], %broadcast_in_dim3A_105 {strides = array<i32>} : memref<1x8x256xf32, #tpu.memory_space<vmem>>, vector<1x8x256xf32>,
    } else {
    }
    %get3A_75 = arith.constant 0 : index
    %get3A_76 = arith.constant 0 : index
    %get3A_77 = arith.constant 0 : index
    %get3A_78 = vector.load %arg11[%get3A_75, %get3A_76, %get3A_77] : memref<1x8x256xf32, #tpu.memory_space<vmem>>, vector<1x1x256xf32>
    %get3A_79 = vector.shape_cast %get3A_78 : vector<1x1x256xf32> to vector<1x256xf32>
    %reduce_sum3A = arith.constant dense<0.000000e+00> : vector<256xf32>
    %reduce_sum3A_80 = vector.multi_reduction <add>, %add3A_66, %reduce_sum3A [0] : vector<256x256xf32> to vector<256xf32>
    %broadcast_in_dim3A = vector.shape_cast %reduce_sum3A_80 : vector<256xf32> to vector<1x256xf32>
    %add3A_81 = arith.addf %get3A_79, %broadcast_in_dim3A : vector<1x256xf32>
    %swap3A_82 = arith.constant 0 : index
    %swap3A_83 = arith.constant 0 : index
    %swap3A_84 = arith.constant 0 : index
    %swap3A_85 = vector.load %arg11[%swap3A_82, %swap3A_83, %swap3A_84] : memref<1x8x256xf32, #tpu.memory_space<vmem>>, vector<1x1x256xf32>
    %swap3A_86 = vector.shape_cast %swap3A_85 : vector<1x1x256xf32> to vector<1x256xf32>
    %swap3A_87 = vector.shape_cast %add3A_81 : vector<1x256xf32> to vector<1x1x256xf32>
    tpu.vector_store %arg11[%swap3A_82, %swap3A_83, %swap3A_84], %swap3A_87 {strides = array<i32>} : memref<1x8x256xf32, #tpu.memory_space<vmem>>, vector<1x1x256xf32>,
    %get3A_88 = arith.constant 0 : index
    %get3A_89 = arith.constant 1 : index
    %get3A_90 = arith.constant 0 : index
    %get3A_91 = vector.load %arg11[%get3A_88, %get3A_89, %get3A_90] : memref<1x8x256xf32, #tpu.memory_space<vmem>>, vector<1x1x256xf32>
    %get3A_92 = vector.shape_cast %get3A_91 : vector<1x1x256xf32> to vector<1x256xf32>
    %mul3A_93 = arith.mulf %add3A_66, %add3A_66 : vector<256x256xf32>
    %reduce_sum3A_94 = arith.constant dense<0.000000e+00> : vector<256xf32>
    %reduce_sum3A_95 = vector.multi_reduction <add>, %mul3A_93, %reduce_sum3A_94 [0] : vector<256x256xf32> to vector<256xf32>
    %broadcast_in_dim3A_96 = vector.shape_cast %reduce_sum3A_95 : vector<256xf32> to vector<1x256xf32>
    %add3A_97 = arith.addf %get3A_92, %broadcast_in_dim3A_96 : vector<1x256xf32>
    %swap3A_98 = arith.constant 0 : index
    %swap3A_99 = arith.constant 1 : index
    %swap3A_100 = arith.constant 0 : index
    %swap3A_101 = vector.load %arg11[%swap3A_98, %swap3A_99, %swap3A_100] : memref<1x8x256xf32, #tpu.memory_space<vmem>>, vector<1x1x256xf32>
    %swap3A_102 = vector.shape_cast %swap3A_101 : vector<1x1x256xf32> to vector<1x256xf32>
    %swap3A_103 = vector.shape_cast %add3A_97 : vector<1x256xf32> to vector<1x1x256xf32>
    tpu.vector_store %arg11[%swap3A_98, %swap3A_99, %swap3A_100], %swap3A_103 {strides = array<i32>} : memref<1x8x256xf32, #tpu.memory_space<vmem>>, vector<1x1x256xf32>,
    return
  }
  func.func @transform_0(%arg0: i32, %arg1: i32) -> (i32, i32, i32) {
    %c0_i32 = arith.constant 0 : i32
    %c0_i32_0 = arith.constant 0 : i32
    return %arg0, %arg1, %c0_i32 : i32, i32, i32
  }
  func.func @transform_1(%arg0: i32, %arg1: i32) -> (i32, i32, i32, i32) {
    %c0_i32 = arith.constant 0 : i32
    %c0_i32_0 = arith.constant 0 : i32
    %c0_i32_1 = arith.constant 0 : i32
    return %arg0, %arg1, %c0_i32, %c0_i32_0 : i32, i32, i32, i32
  }
  func.func @transform_2(%arg0: i32, %arg1: i32) -> (i32, i32, i32) {
    %c0_i32 = arith.constant 0 : i32
    %c0_i32_0 = arith.constant 0 : i32
    return %arg0, %arg1, %c0_i32 : i32, i32, i32
  }
  func.func @transform_3(%arg0: i32, %arg1: i32) -> (i32, i32) {
    %c0_i32 = arith.constant 0 : i32
    %c0_i32_0 = arith.constant 0 : i32
    %c0_i32_1 = arith.constant 0 : i32
    return %c0_i32, %c0_i32_0 : i32, i32
  }
  func.func @transform_4(%arg0: i32, %arg1: i32) -> (i32, i32) {
    %c0_i32 = arith.constant 0 : i32
    %c0_i32_0 = arith.constant 0 : i32
    %c0_i32_1 = arith.constant 0 : i32
    return %c0_i32, %c0_i32_0 : i32, i32
  }
  func.func @transform_5(%arg0: i32, %arg1: i32) -> (i32, i32) {
    %c0_i32 = arith.constant 0 : i32
    %c0_i32_0 = arith.constant 0 : i32
    %c0_i32_1 = arith.constant 0 : i32
    return %c0_i32, %c0_i32_0 : i32, i32
  }
  func.func @transform_6(%arg0: i32, %arg1: i32) -> (i32, i32) {
    %c0_i32 = arith.constant 0 : i32
    %c0_i32_0 = arith.constant 0 : i32
    %c0_i32_1 = arith.constant 0 : i32
    return %c0_i32, %c0_i32_0 : i32, i32
  }
  func.func @transform_7(%arg0: i32, %arg1: i32) -> (i32, i32) {
    %c0_i32 = arith.constant 0 : i32
    %c0_i32_0 = arith.constant 0 : i32
    %c0_i32_1 = arith.constant 0 : i32
    return %c0_i32, %c0_i32_0 : i32, i32
  }
  func.func @transform_8(%arg0: i32, %arg1: i32) -> (i32, i32, i32) {
    %c0_i32 = arith.constant 0 : i32
    %c0_i32_0 = arith.constant 0 : i32
    return %arg0, %arg1, %c0_i32 : i32, i32, i32
  }
  func.func @transform_9(%arg0: i32, %arg1: i32) -> (i32, i32, i32) {
    %c0_i32 = arith.constant 0 : i32
    %c0_i32_0 = arith.constant 0 : i32
    %c0_i32_1 = arith.constant 0 : i32
    return %arg0, %c0_i32, %c0_i32_0 : i32, i32, i32
  }
}

module attributes {stable_mosaic.version = 14 : i64} {
  func.func @_k2_body(%arg0: i32, %arg1: i32, %arg2: memref<1x1024x256xf32, #tpu.memory_space<vmem>>, %arg3: memref<1x256xf32, #tpu.memory_space<vmem>>, %arg4: memref<1x256xf32, #tpu.memory_space<vmem>>, %arg5: memref<256x256xbf16, #tpu.memory_space<vmem>>, %arg6: memref<256x256xbf16, #tpu.memory_space<vmem>>, %arg7: memref<1x256xf32, #tpu.memory_space<vmem>>, %arg8: memref<1x1024x256xf32, #tpu.memory_space<vmem>>, %arg9: memref<1x8x256xf32, #tpu.memory_space<vmem>>) attributes {dimension_semantics = [#tpu.dimension_semantics<parallel>, #tpu.dimension_semantics<arbitrary>], iteration_bounds = array<i64: 4, 8>, scalar_prefetch = 0 : i64, scratch_operands = 0 : i64, tpu.core_type = #tpu.core_type<tc>, window_params = [{transform_indices = @transform_0, window_bounds = array<i64: 1, 1024, 256>}, {pipeline_mode = #tpu.pipeline_mode<synchronous>, transform_indices = @transform_1, window_bounds = array<i64: 1, 256>}, {pipeline_mode = #tpu.pipeline_mode<synchronous>, transform_indices = @transform_2, window_bounds = array<i64: 1, 256>}, {pipeline_mode = #tpu.pipeline_mode<synchronous>, transform_indices = @transform_3, window_bounds = array<i64: 256, 256>}, {pipeline_mode = #tpu.pipeline_mode<synchronous>, transform_indices = @transform_4, window_bounds = array<i64: 256, 256>}, {pipeline_mode = #tpu.pipeline_mode<synchronous>, transform_indices = @transform_5, window_bounds = array<i64: 1, 256>}, {transform_indices = @transform_6, window_bounds = array<i64: 1, 1024, 256>}, {transform_indices = @transform_7, window_bounds = array<i64: 1, 8, 256>}]} {
    %get3A = arith.constant 0 : index
    %get3A_0 = arith.constant 0 : index
    %get3A_1 = arith.constant 0 : index
    %get3A_2 = vector.load %arg2[%get3A, %get3A_0, %get3A_1] : memref<1x1024x256xf32, #tpu.memory_space<vmem>>, vector<1x1024x256xf32>
    %get3A_3 = vector.shape_cast %get3A_2 : vector<1x1024x256xf32> to vector<1024x256xf32>
    %get3A_4 = arith.constant 0 : index
    %get3A_5 = arith.constant 0 : index
    %get3A_6 = vector.load %arg3[%get3A_4, %get3A_5] : memref<1x256xf32, #tpu.memory_space<vmem>>, vector<1x256xf32>
    %mul3A = vector.broadcast %get3A_6 : vector<1x256xf32> to vector<1024x256xf32>
    %mul3A_7 = arith.mulf %get3A_3, %mul3A : vector<1024x256xf32>
    %get3A_8 = arith.constant 0 : index
    %get3A_9 = arith.constant 0 : index
    %get3A_10 = vector.load %arg4[%get3A_8, %get3A_9] : memref<1x256xf32, #tpu.memory_space<vmem>>, vector<1x256xf32>
    %add3A = vector.broadcast %get3A_10 : vector<1x256xf32> to vector<1024x256xf32>
    %add3A_11 = arith.addf %mul3A_7, %add3A : vector<1024x256xf32>
    %max3A = arith.constant 0.000000e+00 : f32
    %max3A_12 = vector.broadcast %max3A : f32 to vector<1024x256xf32>
    %max3A_13 = arith.maximumf %add3A_11, %max3A_12 : vector<1024x256xf32>
    %convert_element_type3A = arith.truncf %max3A_13 : vector<1024x256xf32> to vector<1024x256xbf16>
    %convert_element_type3A_14 = arith.extf %convert_element_type3A : vector<1024x256xbf16> to vector<1024x256xf32>
    %sub3A = arith.subf %max3A_13, %convert_element_type3A_14 : vector<1024x256xf32>
    %convert_element_type3A_15 = arith.truncf %sub3A : vector<1024x256xf32> to vector<1024x256xbf16>
    %get3A_16 = arith.constant 0 : index
    %get3A_17 = arith.constant 0 : index
    %get3A_18 = vector.load %arg5[%get3A_16, %get3A_17] : memref<256x256xbf16, #tpu.memory_space<vmem>>, vector<256x256xbf16>
    %get3A_19 = arith.constant 0 : index
    %get3A_20 = arith.constant 0 : index
    %get3A_21 = vector.load %arg6[%get3A_19, %get3A_20] : memref<256x256xbf16, #tpu.memory_space<vmem>>, vector<256x256xbf16>
    %dot_general3A = arith.constant dense<0.000000e+00> : vector<1024x256xf32>
    %dot_general3A_22 = tpu.matmul %convert_element_type3A, %get3A_18, %dot_general3A {dimension_numbers = #tpu.dot_dimension_numbers<[1], [0], [0], [1], [0, 0, 1, 1], [], []>, transpose_lhs_hint = false} : vector<1024x256xbf16>, vector<256x256xbf16>, vector<1024x256xf32> -> vector<1024x256xf32>
    %dot_general3A_23 = arith.constant dense<0.000000e+00> : vector<1024x256xf32>
    %dot_general3A_24 = tpu.matmul %convert_element_type3A, %get3A_21, %dot_general3A_23 {dimension_numbers = #tpu.dot_dimension_numbers<[1], [0], [0], [1], [0, 0, 1, 1], [], []>, transpose_lhs_hint = false} : vector<1024x256xbf16>, vector<256x256xbf16>, vector<1024x256xf32> -> vector<1024x256xf32>
    %add3A_25 = arith.addf %dot_general3A_22, %dot_general3A_24 : vector<1024x256xf32>
    %dot_general3A_26 = arith.constant dense<0.000000e+00> : vector<1024x256xf32>
    %dot_general3A_27 = tpu.matmul %convert_element_type3A_15, %get3A_18, %dot_general3A_26 {dimension_numbers = #tpu.dot_dimension_numbers<[1], [0], [0], [1], [0, 0, 1, 1], [], []>, transpose_lhs_hint = false} : vector<1024x256xbf16>, vector<256x256xbf16>, vector<1024x256xf32> -> vector<1024x256xf32>
    %add3A_28 = arith.addf %add3A_25, %dot_general3A_27 : vector<1024x256xf32>
    %get3A_29 = arith.constant 0 : index
    %get3A_30 = arith.constant 0 : index
    %get3A_31 = vector.load %arg7[%get3A_29, %get3A_30] : memref<1x256xf32, #tpu.memory_space<vmem>>, vector<1x256xf32>
    %add3A_32 = vector.broadcast %get3A_31 : vector<1x256xf32> to vector<1024x256xf32>
    %add3A_33 = arith.addf %add3A_28, %add3A_32 : vector<1024x256xf32>
    %swap3A = arith.constant 0 : index
    %swap3A_34 = arith.constant 0 : index
    %swap3A_35 = arith.constant 0 : index
    %swap3A_36 = vector.load %arg8[%swap3A, %swap3A_34, %swap3A_35] : memref<1x1024x256xf32, #tpu.memory_space<vmem>>, vector<1x1024x256xf32>
    %swap3A_37 = vector.shape_cast %swap3A_36 : vector<1x1024x256xf32> to vector<1024x256xf32>
    %swap3A_38 = vector.shape_cast %add3A_33 : vector<1024x256xf32> to vector<1x1024x256xf32>
    tpu.vector_store %arg8[%swap3A, %swap3A_34, %swap3A_35], %swap3A_38 {strides = array<i32>} : memref<1x1024x256xf32, #tpu.memory_space<vmem>>, vector<1x1024x256xf32>,
    %eq3A = arith.constant 0 : i32
    %eq3A_39 = arith.cmpi eq, %arg1, %eq3A : i32
    %convert_element_type3A_40 = arith.extui %eq3A_39 : i1 to i32
    %cond3A = arith.constant 0 : i32
    %cond3A_41 = arith.cmpi ne, %convert_element_type3A_40, %cond3A : i32
    scf.if %cond3A_41 {
      %broadcast_in_dim3A_71 = arith.constant 0.000000e+00 : f32
      %broadcast_in_dim3A_72 = vector.broadcast %broadcast_in_dim3A_71 : f32 to vector<1x8x256xf32>
      %swap3A_73 = arith.constant 0 : index
      %swap3A_74 = arith.constant 0 : index
      %swap3A_75 = arith.constant 0 : index
      %swap3A_76 = vector.load %arg9[%swap3A_73, %swap3A_74, %swap3A_75] : memref<1x8x256xf32, #tpu.memory_space<vmem>>, vector<1x8x256xf32>
      tpu.vector_store %arg9[%swap3A_73, %swap3A_74, %swap3A_75], %broadcast_in_dim3A_72 {strides = array<i32>} : memref<1x8x256xf32, #tpu.memory_space<vmem>>, vector<1x8x256xf32>,
    } else {
    }
    %get3A_42 = arith.constant 0 : index
    %get3A_43 = arith.constant 0 : index
    %get3A_44 = arith.constant 0 : index
    %get3A_45 = vector.load %arg9[%get3A_42, %get3A_43, %get3A_44] : memref<1x8x256xf32, #tpu.memory_space<vmem>>, vector<1x1x256xf32>
    %get3A_46 = vector.shape_cast %get3A_45 : vector<1x1x256xf32> to vector<1x256xf32>
    %reduce_sum3A = arith.constant dense<0.000000e+00> : vector<256xf32>
    %reduce_sum3A_47 = vector.multi_reduction <add>, %add3A_33, %reduce_sum3A [0] : vector<1024x256xf32> to vector<256xf32>
    %broadcast_in_dim3A = vector.shape_cast %reduce_sum3A_47 : vector<256xf32> to vector<1x256xf32>
    %add3A_48 = arith.addf %get3A_46, %broadcast_in_dim3A : vector<1x256xf32>
    %swap3A_49 = arith.constant 0 : index
    %swap3A_50 = arith.constant 0 : index
    %swap3A_51 = arith.constant 0 : index
    %swap3A_52 = vector.load %arg9[%swap3A_49, %swap3A_50, %swap3A_51] : memref<1x8x256xf32, #tpu.memory_space<vmem>>, vector<1x1x256xf32>
    %swap3A_53 = vector.shape_cast %swap3A_52 : vector<1x1x256xf32> to vector<1x256xf32>
    %swap3A_54 = vector.shape_cast %add3A_48 : vector<1x256xf32> to vector<1x1x256xf32>
    tpu.vector_store %arg9[%swap3A_49, %swap3A_50, %swap3A_51], %swap3A_54 {strides = array<i32>} : memref<1x8x256xf32, #tpu.memory_space<vmem>>, vector<1x1x256xf32>,
    %get3A_55 = arith.constant 0 : index
    %get3A_56 = arith.constant 1 : index
    %get3A_57 = arith.constant 0 : index
    %get3A_58 = vector.load %arg9[%get3A_55, %get3A_56, %get3A_57] : memref<1x8x256xf32, #tpu.memory_space<vmem>>, vector<1x1x256xf32>
    %get3A_59 = vector.shape_cast %get3A_58 : vector<1x1x256xf32> to vector<1x256xf32>
    %mul3A_60 = arith.mulf %add3A_33, %add3A_33 : vector<1024x256xf32>
    %reduce_sum3A_61 = arith.constant dense<0.000000e+00> : vector<256xf32>
    %reduce_sum3A_62 = vector.multi_reduction <add>, %mul3A_60, %reduce_sum3A_61 [0] : vector<1024x256xf32> to vector<256xf32>
    %broadcast_in_dim3A_63 = vector.shape_cast %reduce_sum3A_62 : vector<256xf32> to vector<1x256xf32>
    %add3A_64 = arith.addf %get3A_59, %broadcast_in_dim3A_63 : vector<1x256xf32>
    %swap3A_65 = arith.constant 0 : index
    %swap3A_66 = arith.constant 1 : index
    %swap3A_67 = arith.constant 0 : index
    %swap3A_68 = vector.load %arg9[%swap3A_65, %swap3A_66, %swap3A_67] : memref<1x8x256xf32, #tpu.memory_space<vmem>>, vector<1x1x256xf32>
    %swap3A_69 = vector.shape_cast %swap3A_68 : vector<1x1x256xf32> to vector<1x256xf32>
    %swap3A_70 = vector.shape_cast %add3A_64 : vector<1x256xf32> to vector<1x1x256xf32>
    tpu.vector_store %arg9[%swap3A_65, %swap3A_66, %swap3A_67], %swap3A_70 {strides = array<i32>} : memref<1x8x256xf32, #tpu.memory_space<vmem>>, vector<1x1x256xf32>,
    return
  }
  func.func @transform_0(%arg0: i32, %arg1: i32) -> (i32, i32, i32) {
    %c0_i32 = arith.constant 0 : i32
    %c0_i32_0 = arith.constant 0 : i32
    return %arg0, %arg1, %c0_i32 : i32, i32, i32
  }
  func.func @transform_1(%arg0: i32, %arg1: i32) -> (i32, i32) {
    %c0_i32 = arith.constant 0 : i32
    %c0_i32_0 = arith.constant 0 : i32
    %c0_i32_1 = arith.constant 0 : i32
    return %c0_i32, %c0_i32_0 : i32, i32
  }
  func.func @transform_2(%arg0: i32, %arg1: i32) -> (i32, i32) {
    %c0_i32 = arith.constant 0 : i32
    %c0_i32_0 = arith.constant 0 : i32
    %c0_i32_1 = arith.constant 0 : i32
    return %c0_i32, %c0_i32_0 : i32, i32
  }
  func.func @transform_3(%arg0: i32, %arg1: i32) -> (i32, i32) {
    %c0_i32 = arith.constant 0 : i32
    %c0_i32_0 = arith.constant 0 : i32
    %c0_i32_1 = arith.constant 0 : i32
    return %c0_i32, %c0_i32_0 : i32, i32
  }
  func.func @transform_4(%arg0: i32, %arg1: i32) -> (i32, i32) {
    %c0_i32 = arith.constant 0 : i32
    %c0_i32_0 = arith.constant 0 : i32
    %c0_i32_1 = arith.constant 0 : i32
    return %c0_i32, %c0_i32_0 : i32, i32
  }
  func.func @transform_5(%arg0: i32, %arg1: i32) -> (i32, i32) {
    %c0_i32 = arith.constant 0 : i32
    %c0_i32_0 = arith.constant 0 : i32
    %c0_i32_1 = arith.constant 0 : i32
    return %c0_i32, %c0_i32_0 : i32, i32
  }
  func.func @transform_6(%arg0: i32, %arg1: i32) -> (i32, i32, i32) {
    %c0_i32 = arith.constant 0 : i32
    %c0_i32_0 = arith.constant 0 : i32
    return %arg0, %arg1, %c0_i32 : i32, i32, i32
  }
  func.func @transform_7(%arg0: i32, %arg1: i32) -> (i32, i32, i32) {
    %c0_i32 = arith.constant 0 : i32
    %c0_i32_0 = arith.constant 0 : i32
    %c0_i32_1 = arith.constant 0 : i32
    return %arg0, %c0_i32, %c0_i32_0 : i32, i32, i32
  }
}

module attributes {stable_mosaic.version = 14 : i64} {
  func.func @_k3_body(%arg0: i32, %arg1: i32, %arg2: memref<1x1024x256xf32, #tpu.memory_space<vmem>>, %arg3: memref<1x256xf32, #tpu.memory_space<vmem>>, %arg4: memref<1x256xf32, #tpu.memory_space<vmem>>, %arg5: memref<1x1024x256xf32, #tpu.memory_space<vmem>>) attributes {dimension_semantics = [#tpu.dimension_semantics<parallel>, #tpu.dimension_semantics<parallel>], iteration_bounds = array<i64: 4, 8>, scalar_prefetch = 0 : i64, scratch_operands = 0 : i64, tpu.core_type = #tpu.core_type<tc>, window_params = [{transform_indices = @transform_0, window_bounds = array<i64: 1, 1024, 256>}, {pipeline_mode = #tpu.pipeline_mode<synchronous>, transform_indices = @transform_1, window_bounds = array<i64: 1, 256>}, {pipeline_mode = #tpu.pipeline_mode<synchronous>, transform_indices = @transform_2, window_bounds = array<i64: 1, 256>}, {transform_indices = @transform_3, window_bounds = array<i64: 1, 1024, 256>}]} {
    %get3A = arith.constant 0 : index
    %get3A_0 = arith.constant 0 : index
    %get3A_1 = arith.constant 0 : index
    %get3A_2 = vector.load %arg2[%get3A, %get3A_0, %get3A_1] : memref<1x1024x256xf32, #tpu.memory_space<vmem>>, vector<1x1024x256xf32>
    %get3A_3 = vector.shape_cast %get3A_2 : vector<1x1024x256xf32> to vector<1024x256xf32>
    %get3A_4 = arith.constant 0 : index
    %get3A_5 = arith.constant 0 : index
    %get3A_6 = vector.load %arg3[%get3A_4, %get3A_5] : memref<1x256xf32, #tpu.memory_space<vmem>>, vector<1x256xf32>
    %mul3A = vector.broadcast %get3A_6 : vector<1x256xf32> to vector<1024x256xf32>
    %mul3A_7 = arith.mulf %get3A_3, %mul3A : vector<1024x256xf32>
    %get3A_8 = arith.constant 0 : index
    %get3A_9 = arith.constant 0 : index
    %get3A_10 = vector.load %arg4[%get3A_8, %get3A_9] : memref<1x256xf32, #tpu.memory_space<vmem>>, vector<1x256xf32>
    %add3A = vector.broadcast %get3A_10 : vector<1x256xf32> to vector<1024x256xf32>
    %add3A_11 = arith.addf %mul3A_7, %add3A : vector<1024x256xf32>
    %max3A = arith.constant 0.000000e+00 : f32
    %max3A_12 = vector.broadcast %max3A : f32 to vector<1024x256xf32>
    %max3A_13 = arith.maximumf %add3A_11, %max3A_12 : vector<1024x256xf32>
    %swap3A = arith.constant 0 : index
    %swap3A_14 = arith.constant 0 : index
    %swap3A_15 = arith.constant 0 : index
    %swap3A_16 = vector.load %arg5[%swap3A, %swap3A_14, %swap3A_15] : memref<1x1024x256xf32, #tpu.memory_space<vmem>>, vector<1x1024x256xf32>
    %swap3A_17 = vector.shape_cast %swap3A_16 : vector<1x1024x256xf32> to vector<1024x256xf32>
    %swap3A_18 = vector.shape_cast %max3A_13 : vector<1024x256xf32> to vector<1x1024x256xf32>
    tpu.vector_store %arg5[%swap3A, %swap3A_14, %swap3A_15], %swap3A_18 {strides = array<i32>} : memref<1x1024x256xf32, #tpu.memory_space<vmem>>, vector<1x1024x256xf32>,
    return
  }
  func.func @transform_0(%arg0: i32, %arg1: i32) -> (i32, i32, i32) {
    %c0_i32 = arith.constant 0 : i32
    %c0_i32_0 = arith.constant 0 : i32
    return %arg0, %arg1, %c0_i32 : i32, i32, i32
  }
  func.func @transform_1(%arg0: i32, %arg1: i32) -> (i32, i32) {
    %c0_i32 = arith.constant 0 : i32
    %c0_i32_0 = arith.constant 0 : i32
    %c0_i32_1 = arith.constant 0 : i32
    return %c0_i32, %c0_i32_0 : i32, i32
  }
  func.func @transform_2(%arg0: i32, %arg1: i32) -> (i32, i32) {
    %c0_i32 = arith.constant 0 : i32
    %c0_i32_0 = arith.constant 0 : i32
    %c0_i32_1 = arith.constant 0 : i32
    return %c0_i32, %c0_i32_0 : i32, i32
  }
  func.func @transform_3(%arg0: i32, %arg1: i32) -> (i32, i32, i32) {
    %c0_i32 = arith.constant 0 : i32
    %c0_i32_0 = arith.constant 0 : i32
    return %arg0, %arg1, %c0_i32 : i32, i32, i32
  }
}

</mosaic_0001>

<sc_bundles>
// kernel: kernel.7.cloned.1.call-start
scs
__scs_entry_jumppad:
0x0: {  	(pc) =	sbr.rel $0x88, $3  }
0x1: {  	(tag) =	ssettag $0x0;
	lr =	simm.s32 $0x1  }
0x2: {  	[smem:$0x3F95] =	sst lr;
	_ =	strace $0xD0000000  }
0x3: {  	_ = 	snop  }
0x4: {  	_ = 	snop  }
0x5: {  	_ = 	snop  }
0x6: {  	_ = 	snop  }
0x7: {  	_ = 	snop  }
__scs_overlays_trampoline_lowered:
0x8: {  	[smem:$0x3FA4] =	sst s0  }
0x9: {  	[smem:$0x3FA5] =	sst s1  }
0xa: {  	[smem:$0x3FA6] =	sst s2  }
0xb: {  	[smem:$0x3FA7] =	sst s3  }
0xc: {  	[smem:$0x3FA8] =	sst s4  }
0xd: {  	[smem:$0x3FA9] =	sst s5  }
0xe: {  	[smem:$0x3FAA] =	sst s6  }
0xf: {  	[smem:$0x3FAB] =	sst s7  }
0x10: {  	[smem:$0x3FAC] =	sst s8  }
0x11: {  	[smem:$0x3FAD] =	sst s9;
	s0 =	simm.s32 @!p0 $0x0  }
0x12: {  	s1 =	sld [smem:$0x3F93];
	s0 =	simm.s32 @p0 $0x1  }
0x13: {  	[smem:$0x3FAE] =	sst s0;
	s0 =	simm.s32 @!p1 $0x0  }
0x14: {  	s2 =	sld [smem:$0x3F92];
	s0 =	simm.s32 @p1 $0x1  }
0x15: {  	[smem:$0x3FAF] =	sst s0;
	s0 =	simm.s32 @!p2 $0x0  }
0x16: {  	s3 =	sld [smem:$0x3FDB];
	s0 =	simm.s32 @p2 $0x1  }
0x17: {  	s4 =	simm.s32 $0x1BF5;
	[smem:$0x3FB1] =	sst s0  }
0x18: {  	s0 =	sld [smem:$0x3F94];
	_ =	swait.ge [sflag:s4], $0x0  }
0x19: {  	s7 =	sld [smem:$0x3F95]  }
0x1a: {  	s8 =	sadd.s32 $0xFFFFE003, lr  }
0x1b: {  	s9 =	sadd.s32 $0xFFFFFEF7, lr;
	s5 =	simm.s32 $0xFFFFFFFF;
	p2 =	slt.u32 s8, $0xFFFFF086  }
0x1c: {  	p1 =	slt.u32 s9, $0xF7A;
	s5 =	simm.s32 @!p2 $0x0  }
0x1d: {  	s5 =	simm.s32 @p1 $0x1;
	p0 =	seq.s32 s7, s2  }
0x1e: {  	s7 =	smul.u32 @!p0 $0xF7A, s2;
	p2 =	seq.s32 @!p0 s5, $0x0  }
0x1f: {  	s9 =	smul.u32 $0xF7A, s1;
	s8 =	simm.s32 @!p0 $0x1BF5;
	p2 =	por !p2, p0  }
0x20: {  	[sflag:s8] =	ssyncset.s32 @!p0 $0xFFFFF086;
	s6 =	sadd.s32 @!p0 s3, s7;
	s7 =	simm.s32 @!p0 $0x108  }
0x21: {  	s3 =	sadd.s32 s3, s9;
	s6 =	sadd.s32 @!p0 $0x88, s6;
	s7 =	simm.s32 @p2 $0x1082  }
0x22: {  	[simem:s7], [sflag:s8] =	dma.local @!p0 [hbm:s6], $0xF7A  }
0x23: {  	s9 =	sor.u32 $0xD0000000, s2;
	s6 =	simm.s32 $0x108;
	_ =	swait.ge @!p0 [sflag:s8], $0x0  }
0x24: {  	s3 =	sadd.s32 $0x88, s3;
	s6 =	simm.s32 @!p1 $0x1082;
	[sflag:s4] =	ssyncset.s32 $0xFFFFF086  }
0x25: {  	[simem:s6], [sflag:s4] =	dma.local [hbm:s3], $0xF7A  }
0x26: {  	[smem:$0x3F95] =	sst s1;
	(tag) =	ssettag s2;
	_ =	strace s9  }
0x27: {  	s1 =	sld [smem:$0x3FA5]  }
0x28: {  	s2 =	sld [smem:$0x3FA6]  }
0x29: {  	s4 =	sld [smem:$0x3FA8]  }
0x2a: {  	p0 =	seq.s32 s5, $0x0;
	s5 =	sld [smem:$0x3FA9]  }
0x2b: {  	s6 =	sld [smem:$0x3FAA]  }
0x2c: {  	s7 =	sld [smem:$0x3FAB]  }
0x2d: {  	s3 =	simm.s32 $0x108;
	s8 =	sld [smem:$0x3FAC]  }
0x2e: {  	s3 =	simm.s32 @!p0 $0x1082;
	s9 =	sld [smem:$0x3FAD]  }
0x2f: {  	lr =	sadd.s32 s0, s3;
	s0 =	sld [smem:$0x3FA4]  }
0x30: {  	s3 =	sld [smem:$0x3FA7]  }
0x31: {  	[smem:$0x3FB0] =	sst s10  }
0x32: {  	s10 =	sld [smem:$0x3FAE];
	_ =	sdelay $0x3  }
0x33: {  	p0 =	seq.s32 s10, $0x1;
	s10 =	sld [smem:$0x3FB0];
	_ =	sdelay $0x3  }
0x34: {  	[smem:$0x3FB0] =	sst s10  }
0x35: {  	s10 =	sld [smem:$0x3FAF];
	_ =	sdelay $0x3  }
0x36: {  	p1 =	seq.s32 s10, $0x1;
	s10 =	sld [smem:$0x3FB0];
	_ =	sdelay $0x3  }
0x37: {  	[smem:$0x3FB0] =	sst s10  }
0x38: {  	s10 =	sld [smem:$0x3FB1]  }
0x39: {  	_ = 	snop;
	(pc) =	sbr.ind lr, $3  }
0x3a: {  	_ = 	snop  }
0x3b: {  	_ = 	snop  }
0x3c: {  	p2 =	seq.s32 s10, $0x1;
	s10 =	sld [smem:$0x3FB0]  }
0x3d: {  	_ =	shalt  }
0x3e: {  	_ =	shalt  }
0x3f: {  	_ =	shalt  }
0x40: {  	_ =	shalt  }
0x41: {  	_ =	shalt  }
0x42: {  	_ =	shalt  }
0x43: {  	_ =	shalt  }
0x44: {  	_ =	shalt  }
0x45: {  	_ =	shalt  }
0x46: {  	_ =	shalt  }
0x47: {  	_ =	shalt  }
0x48: {  	_ =	shalt  }
0x49: {  	_ =	shalt  }
0x4a: {  	_ =	shalt  }
0x4b: {  	_ =	shalt  }
0x4c: {  	_ =	shalt  }
0x4d: {  	_ =	shalt  }
0x4e: {  	_ =	shalt  }
0x4f: {  	_ =	shalt  }
0x50: {  	_ =	shalt  }
0x51: {  	_ =	shalt  }
0x52: {  	_ =	shalt  }
0x53: {  	_ =	shalt  }
0x54: {  	_ =	shalt  }
0x55: {  	_ =	shalt  }
0x56: {  	_ =	shalt  }
0x57: {  	_ =	shalt  }
0x58: {  	_ =	shalt  }
0x59: {  	_ =	shalt  }
0x5a: {  	_ =	shalt  }
0x5b: {  	_ =	shalt  }
0x5c: {  	_ =	shalt  }
0x5d: {  	_ =	shalt  }
0x5e: {  	_ =	shalt  }
0x5f: {  	_ =	shalt  }
0x60: {  	_ =	shalt  }
0x61: {  	_ =	shalt  }
0x62: {  	_ =	shalt  }
0x63: {  	_ =	shalt  }
0x64: {  	_ =	shalt  }
0x65: {  	_ =	shalt  }
0x66: {  	_ =	shalt  }
0x67: {  	_ =	shalt  }
0x68: {  	_ =	shalt  }
0x69: {  	_ =	shalt  }
0x6a: {  	_ =	shalt  }
0x6b: {  	_ =	shalt  }
0x6c: {  	_ =	shalt  }
0x6d: {  	_ =	shalt  }
0x6e: {  	_ =	shalt  }
0x6f: {  	_ =	shalt  }
0x70: {  	_ =	shalt  }
0x71: {  	_ =	shalt  }
0x72: {  	_ =	shalt  }
0x73: {  	_ =	shalt  }
0x74: {  	_ =	shalt  }
0x75: {  	_ =	shalt  }
0x76: {  	_ =	shalt  }
0x77: {  	_ =	shalt  }
0x78: {  	_ =	shalt  }
0x79: {  	_ =	shalt  }
0x7a: {  	_ =	shalt  }
0x7b: {  	_ =	shalt  }
0x7c: {  	_ =	shalt  }
0x7d: {  	_ =	shalt  }
0x7e: {  	_ =	shalt  }
0x7f: {  	_ =	shalt  }
0x80: {  	_ =	shalt  }
0x81: {  	_ =	shalt  }
0x82: {  	_ =	shalt  }
0x83: {  	_ =	shalt  }
0x84: {  	_ =	shalt  }
0x85: {  	_ =	shalt  }
0x86: {  	_ =	shalt  }
0x87: {  	_ =	shalt  }
.Lfunc_end0:
.L_simem_size_0:
called_computation_lowered:
.L_overlay_start_0:
0x88: {  	s2 =	sld [smem:$0x3FD9]  }
0x89: {  	s3 =	sld [smem:$0x3FFE];
	_ =	sdelay $0x1  }
0x8a: {  	s1 =	srdreg.scid  }
0x8b: {  	s0 =	sand.u32 $0x1, s1  }
0x8c: {  	s17 =	sshll.u32 s0, $0xA;
	s2 =	sadd.s32 s3, s2  }
0x8d: {  	s2 =	sadd.s32 s2, s17  }
0x8e: {  	[smem:$0x3FBC] =	sst s2  }
0x8f: {  	_ = 	snop  }
0x90: {  	s2 =	sld [smem:$0x3FC6]  }
0x91: {  	s18 =	sld [smem:$0x3FD0];
	(tm) =	ssettm $0x1  }
0x92: {  	s4 =	sld [smem:$0x3FFB];
	_ =	sdelay $0x3  }
0x93: {  	_ =	strace s4  }
0x94: {  	s4 =	sld [smem:$0x3FFC];
	_ =	sdelay $0x3  }
0x95: {  	_ =	strace s4  }
0x96: {  	s4 =	sld [smem:$0x3FFD];
	_ =	sdelay $0x3  }
0x97: {  	_ =	strace s4  }
0x98: {  	_ =	strace $0x8FFFFFFF  }
0x99: {  	s19 =	sld [smem:$0x3FDB];
	_ =	sdelay $0x1  }
0x9a: {  	s5 =	simm.s32 $_scs_section_size  }
0x9b: {  	s6 =	simm.s32 $_size__tile_overlayer_lowered;
	s7 =	simm.s32 $_tile_overlayer_lowered  }
0x9c: {  	s22 =	simm.s32 $0x1BFF;
	s21 =	sshll.u32 s7, $0x1;
	s4 =	sadd.s32 s5, s19  }
0x9d: {  	s8 =	simm.s32 $0x0;
	s20 =	sshll.u32 s6, $0x1;
	s6 =	sadd.s32 s21, s4  }
0x9e: {  	[timem:s8], [sflag:s22] =	dma.local [hbm:s6], s20  }
0x9f: {  	_ =	swait.ge [sflag:s22], s20  }
0xa0: {  	s5 =	ssub.s32 $0x0, s20;
	[sflag:s22] =	ssyncset.done $0x0  }
0xa1: {  	[sflag:s22] =	ssyncadd.s32 s5;
	_ =	sdelay $0x1  }
0xa2: {  	s23 =	simm.s32 $0x1B8B  }
0xa3: {  	_ =	swait.ge [sflag:s23], $0x1  }
0xa4: {  	[sflag:s23] =	ssyncset.done $0x0  }
0xa5: {  	s25 =	simm.s32 $0x1B8E;
	s24 =	sld [smem:$0x3FFE];
	[sflag:s23] =	ssyncadd.s32 $0xFFFFFFFF  }
0xa6: {  	s26 =	simm.s32 $execute0_lowered;
	[smem:$0x3FD2] =	sst s25  }
0xa7: {  	s6 =	sshll.u32 s26, $0x1;
	_ =	strace $0x80000046;
	[dreg:$0x1] =	wrdreg $0xFFFFFFFF  }
0xa8: {  	s28 =	simm.s32 $_size_execute0_lowered;
	s4 =	sadd.s32 s4, s6;
	[dreg:$0x0] =	wrdreg $0x0  }
0xa9: {  	s6 =	sshll.u32 s28, $0x1;
	[dreg:$0x2] =	wrdreg s4  }
0xaa: {  	[dreg:$0x3] =	wrdreg s6  }
0xab: {  	[dreg:$0x4] =	wrdreg $0xC0  }
0xac: {  	_ =	task [dreg:s8], $0x5FFFF  }
0xad: {  	[dreg:$0x1] =	wrdreg $0xFFFFFFFF  }
0xae: {  	[dreg:$0x0] =	wrdreg $0x60  }
0xaf: {  	[dreg:$0x2] =	wrdreg s2  }
0xb0: {  	[dreg:$0x3] =	wrdreg s18  }
0xb1: {  	[dreg:$0x4] =	wrdreg s24  }
0xb2: {  	[dreg:$0x5] =	wrdreg $0x9  }
0xb3: {  	_ =	task.clear_ibuf [dreg:s8], $0x6FFFF;
	_ =	strace $0x90000046  }
0xb4: {  	s29 =	simm.s32 $0x9;
	_ =	strace $0x80000048  }
0xb5: {  	_ =	swait.ge [sflag:s29], $0x1  }
0xb6: {  	[sflag:s29] =	ssyncadd.s32 $0xFFFFFFFF  }
0xb7: {  	_ =	strace $0x90000048  }
0xb8: {  	_ =	sfence  }
0xb9: {  	s30 =	sld [smem:$0x0];
	_ =	sdelay $0x2  }
0xba: {  	s31 =	sshll.u32 s1, $0xD;
	s1 =	sshrl.u32 s1, $0x2  }
0xbb: {  	s3 =	sand.u32 $0x4000, s31;
	s1 =	sadd.s32 s1, s30  }
0xbc: {  	s0 =	sor.u32 s3, s0;
	s1 =	sshll.u32 s1, $0x11  }
0xbd: {  	s0 =	sor.u32 s1, s0  }
0xbe: {  	s0 =	sadd.s32 $0x8F2B, s0  }
0xbf: {  	[sflag:s0] =	ssyncadd.remote.s32 $0x1  }
0xc0: {  	_ =	sfence.sel $0xFFFF  }
0xc1: {  	[dreg:$0x0] =	wrdreg $0xFFFFFFFF;
	(pc) =	sbr.abs _section_cstart, $3  }
0xc2: {  	[dreg:$0x1] =	wrdreg $0xFFFFFFFF  }
0xc3: {  	_ =	task.clear_ibuf [dreg:s8], $0x2FFFF;
	_ =	strace $0x9FFFFFFF  }
0xc4: {  	(tm) =	ssettm $0x7FFFFFFF  }
0xc5: {  	_ =	shalt  }
tec
execute0_lowered:
.L_overlay_start_1:
0x0: {  	(tag) =	ssettag $0x1  }
0x1: {  	s2 =	rddreg [dreg:$0x0]  }
0x2: {  	s6 =	rddreg [dreg:$0x1]  }
0x3: {  	s4 =	rddreg [dreg:$0x2]  }
0x4: {  	s0 =	rddreg [dreg:$0x3]  }
0x5: {  	s1 =	stileid.u32;
	s7 =	srdreg.scid;
	s3 =	simm.s32 $0x0  }
0x6: {  	s12 =	simm.s32 $0x2080;
	s13 =	simm.s32 $0x2880;
	s14 =	simm.s32 $0x3080  }
0x7: {  	s15 =	simm.s32 $0x3880;
	s16 =	simm.s32 $0x4080;
	s17 =	simm.s32 $0x4880  }
0x8: {  	s18 =	simm.s32 $0x5080;
	s19 =	simm.s32 $0x5880;
	s20 =	simm.s32 $0x6080  }
0x9: {  	s21 =	simm.s32 $0x6880;
	s22 =	simm.s32 $0x7080;
	s5 =	smul.u32 $0x30000, s1  }
0xa: {  	s23 =	simm.s32 $0x7880;
	s7 =	sand.u32 $0x1, s7;
	s8 =	smul.u32 $0x1800, s1  }
0xb: {  	s24 =	simm.s32 $0x1;
	s25 =	simm.s32 $0x0;
	s10 =	smul.u32 $0xC00, s7  }
0xc: {  	[smem:$0x7FF] =	sst s3;
	s9 =	ssub.s32 $0x2, s7;
	s7 =	smul.u32 $0x18000, s7  }
0xd: {  	_ =	strace $0x80000047;
	s11 =	sshrl.u32 s9, $0x1;
	s5 =	sadd.s32 s5, s4  }
0xe: {  	s30 =	ssub.s32 s9, s11;
	s8 =	sadd.s32 s10, s8;
	s5 =	sadd.s32 s7, s5  }
0xf: {  	v2 =	vlaneseq.u32;
	s7 =	simm.s32 $0x2;
	s9 =	simm.s32 $0x880;
	s10 =	simm.s32 $0x1080  }
0x10: {  	vm0 =	vmmov $0xffff;
	v1 =	vshrl.u32 v2, $0x3;
	s11 =	simm.s32 $0x1880;
	s4 =	smax.u32 s30, $0x1;
	s31 =	sshrl.u32 s8, $0x3  }
0x11: {  	v0 =	vand.u32 $0x7, v2;
	v2 =	vor.u32 $0x8, v2;
	v1 =	vmul.u32 $0x8, v1;
	s5 =	sadd.s32 $0x82E00, s5;
	s8 =	simm.s32 $0x80;
	s6 =	sadd.s32 s31, s6  }
.LBB2_1:
0x12: {  	s26 =	smov.u32 s5;
	s28 =	simm.s32 $0x0  }
.LBB2_2:
0x13: {  	s29 =	sadd.s32 s28, s6  }
0x14: {  	[tilespmem:s3], [sflag:$0x2] =	stream.linear.gather [hbm4b:s29+s3], $0x80, $0x38;
	[tilespmem:$0x8080] =	vst v63  }
0x15: {  	_ =	swait.ge [sflag:s7], $0x80  }
0x16: {  	[sflag:s7] =	ssyncset.done $0x0  }
0x17: {  	[sflag:s7] =	ssyncadd.s32 $0xFFFFFF80  }
0x18: {  	v3 =	vld [tilespmem:$0x0];
	_ =	sdelay $0x4  }
0x19: {  	v4 =	vshll.u32 v3, $0x1  }
0x1a: {  	v3 =	vand.u32 $0x7, v3;
	v4 =	vand.u32 $0xFFFFFFF0, v4  }
0x1b: {  	v3 =	vor.u32 v3, v4  }
0x1c: {  	v4 =	vperm.xlane v3, v0;
	_ =	sdelay $0x1  }
0x1d: {  	v3 =	vperm.xlane v3, v2;
	v4 =	vadd.s32 v1, v4;
	_ =	sdelay $0x1  }
0x1e: {  	v3 =	vadd.s32 v1, v3;
	_ =	sdelay $0x2  }
0x1f: {  	[tilespmem:s8], [sflag:$0x1] =	stream.indirect_vreg.gather [hbm4b:s2+s3], $0x80, v4, vm0, $0xb8;
	[tilespmem:$0x8080] =	vst v63  }
0x20: {  	_ = 	snop  }
0x21: {  	[tilespmem:s9], [sflag:$0x1] =	stream.indirect_vreg.gather [hbm4b:s2+s3], $0x80, v3, vm0, $0xb8;
	[tilespmem:$0x8080] =	vst v63  }
0x22: {  	v3 =	vld [tilespmem:$0x10];
	_ =	sdelay $0x4  }
0x23: {  	v57 =	vshll.u32 v3, $0x1  }
0x24: {  	v3 =	vand.u32 $0x7, v3;
	v4 =	vand.u32 $0xFFFFFFF0, v57  }
0x25: {  	v3 =	vor.u32 v3, v4  }
0x26: {  	v4 =	vperm.xlane v3, v0;
	_ =	sdelay $0x1  }
0x27: {  	v3 =	vperm.xlane v3, v2;
	v4 =	vadd.s32 v1, v4;
	_ =	sdelay $0x1  }
0x28: {  	v3 =	vadd.s32 v1, v3;
	_ =	sdelay $0x2  }
0x29: {  	[tilespmem:s10], [sflag:$0x1] =	stream.indirect_vreg.gather [hbm4b:s2+s3], $0x80, v4, vm0, $0xb8;
	[tilespmem:$0x8080] =	vst v63  }
0x2a: {  	_ = 	snop  }
0x2b: {  	[tilespmem:s11], [sflag:$0x1] =	stream.indirect_vreg.gather [hbm4b:s2+s3], $0x80, v3, vm0, $0xb8;
	[tilespmem:$0x8080] =	vst v63  }
0x2c: {  	v3 =	vld [tilespmem:$0x20];
	_ =	sdelay $0x4  }
0x2d: {  	v58 =	vshll.u32 v3, $0x1  }
0x2e: {  	v3 =	vand.u32 $0x7, v3;
	v4 =	vand.u32 $0xFFFFFFF0, v58  }
0x2f: {  	v3 =	vor.u32 v3, v4  }
0x30: {  	v4 =	vperm.xlane v3, v0;
	_ =	sdelay $0x1  }
0x31: {  	v3 =	vperm.xlane v3, v2;
	v4 =	vadd.s32 v1, v4;
	_ =	sdelay $0x1  }
0x32: {  	v3 =	vadd.s32 v1, v3;
	_ =	sdelay $0x2  }
0x33: {  	[tilespmem:s12], [sflag:$0x1] =	stream.indirect_vreg.gather [hbm4b:s2+s3], $0x80, v4, vm0, $0xb8;
	[tilespmem:$0x8080] =	vst v63  }
0x34: {  	_ = 	snop  }
0x35: {  	[tilespmem:s13], [sflag:$0x1] =	stream.indirect_vreg.gather [hbm4b:s2+s3], $0x80, v3, vm0, $0xb8;
	[tilespmem:$0x8080] =	vst v63  }
0x36: {  	v3 =	vld [tilespmem:$0x30];
	_ =	sdelay $0x4  }
0x37: {  	v59 =	vshll.u32 v3, $0x1  }
0x38: {  	v3 =	vand.u32 $0x7, v3;
	v4 =	vand.u32 $0xFFFFFFF0, v59  }
0x39: {  	v3 =	vor.u32 v3, v4  }
0x3a: {  	v4 =	vperm.xlane v3, v0;
	_ =	sdelay $0x1  }
0x3b: {  	v3 =	vperm.xlane v3, v2;
	v4 =	vadd.s32 v1, v4;
	_ =	sdelay $0x1  }
0x3c: {  	v3 =	vadd.s32 v1, v3;
	_ =	sdelay $0x2  }
0x3d: {  	[tilespmem:s14], [sflag:$0x1] =	stream.indirect_vreg.gather [hbm4b:s2+s3], $0x80, v4, vm0, $0xb8;
	[tilespmem:$0x8080] =	vst v63  }
0x3e: {  	_ = 	snop  }
0x3f: {  	[tilespmem:s15], [sflag:$0x1] =	stream.indirect_vreg.gather [hbm4b:s2+s3], $0x80, v3, vm0, $0xb8;
	[tilespmem:$0x8080] =	vst v63  }
0x40: {  	v3 =	vld [tilespmem:$0x40];
	_ =	sdelay $0x4  }
0x41: {  	v60 =	vshll.u32 v3, $0x1  }
0x42: {  	v3 =	vand.u32 $0x7, v3;
	v4 =	vand.u32 $0xFFFFFFF0, v60  }
0x43: {  	v3 =	vor.u32 v3, v4  }
0x44: {  	v4 =	vperm.xlane v3, v0;
	_ =	sdelay $0x1  }
0x45: {  	v3 =	vperm.xlane v3, v2;
	v4 =	vadd.s32 v1, v4;
	_ =	sdelay $0x1  }
0x46: {  	v3 =	vadd.s32 v1, v3;
	_ =	sdelay $0x2  }
0x47: {  	[tilespmem:s16], [sflag:$0x1] =	stream.indirect_vreg.gather [hbm4b:s2+s3], $0x80, v4, vm0, $0xb8;
	[tilespmem:$0x8080] =	vst v63  }
0x48: {  	_ = 	snop  }
0x49: {  	[tilespmem:s17], [sflag:$0x1] =	stream.indirect_vreg.gather [hbm4b:s2+s3], $0x80, v3, vm0, $0xb8;
	[tilespmem:$0x8080] =	vst v63  }
0x4a: {  	v3 =	vld [tilespmem:$0x50];
	_ =	sdelay $0x4  }
0x4b: {  	v61 =	vshll.u32 v3, $0x1  }
0x4c: {  	v3 =	vand.u32 $0x7, v3;
	v4 =	vand.u32 $0xFFFFFFF0, v61  }
0x4d: {  	v3 =	vor.u32 v3, v4  }
0x4e: {  	v4 =	vperm.xlane v3, v0;
	_ =	sdelay $0x1  }
0x4f: {  	v3 =	vperm.xlane v3, v2;
	v4 =	vadd.s32 v1, v4;
	_ =	sdelay $0x1  }
0x50: {  	v3 =	vadd.s32 v1, v3;
	_ =	sdelay $0x2  }
0x51: {  	[tilespmem:s18], [sflag:$0x1] =	stream.indirect_vreg.gather [hbm4b:s2+s3], $0x80, v4, vm0, $0xb8;
	[tilespmem:$0x8080] =	vst v63  }
0x52: {  	_ = 	snop  }
0x53: {  	[tilespmem:s19], [sflag:$0x1] =	stream.indirect_vreg.gather [hbm4b:s2+s3], $0x80, v3, vm0, $0xb8;
	[tilespmem:$0x8080] =	vst v63  }
0x54: {  	v3 =	vld [tilespmem:$0x60];
	_ =	sdelay $0x4  }
0x55: {  	v62 =	vshll.u32 v3, $0x1  }
0x56: {  	v3 =	vand.u32 $0x7, v3;
	v4 =	vand.u32 $0xFFFFFFF0, v62  }
0x57: {  	v3 =	vor.u32 v3, v4  }
0x58: {  	v4 =	vperm.xlane v3, v0;
	_ =	sdelay $0x1  }
0x59: {  	v3 =	vperm.xlane v3, v2;
	v4 =	vadd.s32 v1, v4;
	_ =	sdelay $0x1  }
0x5a: {  	v3 =	vadd.s32 v1, v3;
	_ =	sdelay $0x2  }
0x5b: {  	[tilespmem:s20], [sflag:$0x1] =	stream.indirect_vreg.gather [hbm4b:s2+s3], $0x80, v4, vm0, $0xb8;
	[tilespmem:$0x8080] =	vst v63  }
0x5c: {  	_ = 	snop  }
0x5d: {  	[tilespmem:s21], [sflag:$0x1] =	stream.indirect_vreg.gather [hbm4b:s2+s3], $0x80, v3, vm0, $0xb8;
	[tilespmem:$0x8080] =	vst v63  }
0x5e: {  	v3 =	vld [tilespmem:$0x70];
	_ =	sdelay $0x4  }
0x5f: {  	v63 =	vshll.u32 v3, $0x1  }
0x60: {  	v3 =	vand.u32 $0x7, v3;
	v4 =	vand.u32 $0xFFFFFFF0, v63  }
0x61: {  	v3 =	vor.u32 v3, v4  }
0x62: {  	v4 =	vperm.xlane v3, v0;
	_ =	sdelay $0x1  }
0x63: {  	v3 =	vperm.xlane v3, v2;
	v4 =	vadd.s32 v1, v4;
	_ =	sdelay $0x1  }
0x64: {  	v3 =	vadd.s32 v1, v3;
	_ =	sdelay $0x2  }
0x65: {  	[tilespmem:s22], [sflag:$0x1] =	stream.indirect_vreg.gather [hbm4b:s2+s3], $0x80, v4, vm0, $0xb8;
	[tilespmem:$0x8080] =	vst v63  }
0x66: {  	_ = 	snop  }
0x67: {  	[tilespmem:s23], [sflag:$0x1] =	stream.indirect_vreg.gather [hbm4b:s2+s3], $0x80, v3, vm0, $0xb8;
	[tilespmem:$0x8080] =	vst v63  }
0x68: {  	_ =	swait.ge [sflag:s24], $0x8000  }
0x69: {  	p0 =	sne.s32 s28, $0x170;
	[sflag:s24] =	ssyncset.done $0x0  }
.Ltmp0:
0x6a: {  	[sflag:s24] =	ssyncadd.s32 $0xFFFF8000;
	(pc) =	sbr.rel @p0 .LBB2_2-.Ltmp0, $4  }
0x6b: {  	[hbm4b:s26+s3] =	stream.linear.scatter [tilespmem:s8], [sflag:$0x2], $0x8000, $0x38;
	[tilespmem:$0x8080] =	vst v63  }
0x6c: {  	_ =	swait.ge [sflag:s7], $0x8000  }
0x6d: {  	[sflag:s7] =	ssyncset.done $0x0  }
0x6e: {  	s28 =	sadd.s32 $0x10, s28;
	s26 =	sadd.s32 $0x1000, s26;
	[sflag:s7] =	ssyncadd.s32 $0xFFFF8000  }
0x6f: {  	s25 =	sadd.s32 $0x1, s25  }
0x70: {  	p0 =	sne.s32 s25, s4  }
.Ltmp1:
0x71: {  	_ = 	snop;
	(pc) =	sbr.rel @p0 .LBB2_1-.Ltmp1, $1  }
0x72: {  	_ =	sdelay $0x3  }
0x73: {  	_ =	sfence.sel $0x180000  }
0x74: {  	[bflag:$0x0] =	sbarrier.arrive $0xFFFF  }
0x75: {  	p0 =	sne.s32 s1, $0x0;
	_ =	strace $0x90000047  }
0x76: {  	s0 =	sadd.s32 @!p0 $0x100000, s0;
	[bflag:$0x2] =	sbarrier.arrive $0xFFFF  }
0x77: {  	[sflag:s0] =	ssyncadd.tile.s32 @!p0 $0x1;
	_ =	shalt  }
.Lfunc_end2:
_tile_overlayer_lowered:
.L_overlay_start_2:
0x78: {  	(tag) =	ssettag $0x2  }
0x79: {  	s0 =	rddreg [dreg:$0x0];
	s2 =	stileid.u32  }
0x7a: {  	s1 =	rddreg [dreg:$0x1];
	p0 =	sne.s32 s2, $0x0  }
0x7b: {  	s3 =	rddreg [dreg:$0x2];
	[bflag:$0x3] =	sbarrier.arrive $0xFFFF;
	s2 =	simm.s32 @!p0 $0x1C02  }
0x7c: {  	[timem:s3], [sflag:s2] =	dma.local @!p0 [hbm:s0], s1  }
0x7d: {  	s0 =	simm.s32 @!p0 $0x2  }
0x7e: {  	_ =	swait.ge @!p0 [sflag:s0], s1  }
0x7f: {  	s1 =	ssub.s32 @!p0 $0x0, s1;
	[sflag:s0] =	ssyncset.done @!p0 $0x0  }
0x80: {  	[sflag:s0] =	ssyncadd.s32 @!p0 s1  }
0x81: {  	[bflag:$0x3] =	sbarrier.arrive $0xFFFF  }
0x82: {  	_ =	shalt  }

</sc_bundles>
